<compile_context>
chip_gen: v7x
topology: tpu7x:2x2x1
jax: 0.10.2.dev20260603
libtpu: 0.0.44.dev20260713+nightly
codegen_flags: <defaults>
</compile_context>

<pallas_src>
import functools

import jax
import jax.numpy as jnp
from jax import lax
from jax.experimental import pallas as pl
from jax.experimental.pallas import tpu as pltpu
from jax.experimental.pallas import tpu_sc as plsc

N, E, F, C, OUT = 10000, 320000, 128, 16, 7
NC, NS = 2, 16
NW = NC * NS
EW = E // NW
CH = 1000
NCH = EW // CH
RB = 1000
ZTILES = N // RB

@functools.cache
def _mesh():
    return plsc.VectorSubcoreMesh(
        core_axis_name="c", subcore_axis_name="s", num_cores=NC,
        num_subcores=NS)


def _deg_body(src3, dst3, ones_hbm, zeros_hbm, dego_p, degi_p,
              srcv, dstv, ones_v, dego_s, degi_s, stage_v, outv, sem):
    cid = lax.axis_index("c")
    sid = lax.axis_index("s")
    wid = sid * NC + cid

    @pl.when(sid < ZTILES)
    def _():
        sl = pl.ds(sid * RB, RB)
        pltpu.sync_copy(zeros_hbm.at[sl], dego_s.at[sl])
        pltpu.sync_copy(zeros_hbm.at[sl], degi_s.at[sl])

    pltpu.sync_copy(src3.at[pl.ds(wid * EW, EW)], srcv)
    pltpu.sync_copy(dst3.at[pl.ds(wid * EW, EW)], dstv)
    pltpu.sync_copy(ones_hbm, ones_v)
    plsc.subcore_barrier()

    def chunk(i, carry):
        pltpu.async_copy(ones_v, dego_s.at[srcv.at[pl.ds(i * CH, CH)]],
                         sem, add=True)
        pltpu.async_copy(ones_v, degi_s.at[dstv.at[pl.ds(i * CH, CH)]],
                         sem, add=True)
        return carry

    lax.fori_loop(0, NCH, chunk, 0)

    def drain(i, carry):
        pltpu.make_async_copy(
            ones_v, dego_s.at[srcv.at[pl.ds(0, CH)]], sem).wait()
        pltpu.make_async_copy(
            ones_v, degi_s.at[dstv.at[pl.ds(0, CH)]], sem).wait()
        return carry

    lax.fori_loop(0, NCH, drain, 0)
    plsc.subcore_barrier()

    @pl.when(sid < ZTILES)
    def _():
        sl = pl.ds(sid * RB, RB)
        for acc_s, out_p in ((dego_s, dego_p), (degi_s, degi_p)):
            pltpu.sync_copy(acc_s.at[sl], stage_v.at[pl.ds(0, RB)])
            def ext(j, carry):
                rows = j * 16 + jnp.arange(16, dtype=jnp.int32)
                cols = jnp.zeros((16,), jnp.int32)
                vals = plsc.load_gather(stage_v, [rows, cols])
                outv[pl.ds(j * 16, 16)] = vals
                return carry
            lax.fori_loop(0, (RB + 15) // 16, ext, 0)
            pltpu.sync_copy(outv.at[pl.ds(0, RB)], out_p.at[sid, cid])


@functools.cache
def _deg_call():
    return pl.kernel(
        _deg_body,
        out_type=(
            jax.ShapeDtypeStruct((N // RB, NC, RB), jnp.float32),
            jax.ShapeDtypeStruct((N // RB, NC, RB), jnp.float32),
        ),
        mesh=_mesh(),
        scratch_types=[
            pltpu.VMEM((EW,), jnp.int32),
            pltpu.VMEM((EW,), jnp.int32),
            pltpu.VMEM((CH, 8), jnp.float32),
            pltpu.VMEM_SHARED((N, 8), jnp.float32),
            pltpu.VMEM_SHARED((N, 8), jnp.float32),
            pltpu.VMEM((RB + 8, 8), jnp.float32),
            pltpu.VMEM((RB + 8,), jnp.float32),
            pltpu.SemaphoreType.DMA,
        ],
        compiler_params=pltpu.CompilerParams(
            use_tc_tiling_on_sc=False, needs_layout_passes=False),
    )


def _prop_body(W, table_hbm, src3, dst3, zeros_hbm, part_hbm,
               srcv, dstv, rows, acc, gsem0, gsem1, ssem0, ssem1):
    cid = lax.axis_index("c")
    sid = lax.axis_index("s")
    wid = sid * NC + cid
    gsems = (gsem0, gsem1)
    ssems = (ssem0, ssem1)

    @pl.when(sid < ZTILES)
    def _():
        sl = pl.ds(sid * RB, RB)
        pltpu.sync_copy(zeros_hbm.at[sl], acc.at[sl])

    pltpu.sync_copy(src3.at[pl.ds(wid * EW, EW)], srcv)
    pltpu.sync_copy(dst3.at[pl.ds(wid * EW, EW)], dstv)
    plsc.subcore_barrier()

    for b in range(2):
        pltpu.async_copy(table_hbm.at[srcv.at[pl.ds(b * CH, CH)]],
                         rows.at[b], gsems[b])

    def step(g, carry):
        for b in range(2):
            i = 2 * g + b
            pltpu.make_async_copy(
                table_hbm.at[srcv.at[pl.ds(i * CH, CH)]], rows.at[b],
                gsems[b]).wait()
            pltpu.async_copy(rows.at[b], acc.at[dstv.at[pl.ds(i * CH, CH)]],
                             ssems[b], add=True)
            nxt = i + 2

            @pl.when(nxt < NCH)
            def _():
                pltpu.make_async_copy(
                    rows.at[b], acc.at[dstv.at[pl.ds(i * CH, CH)]],
                    ssems[b]).wait()
                pltpu.async_copy(
                    table_hbm.at[srcv.at[pl.ds(nxt * CH, CH)]], rows.at[b],
                    gsems[b])
        return carry

    lax.fori_loop(0, NCH // 2, step, 0)
    for b in range(2):
        pltpu.make_async_copy(
            rows.at[b], acc.at[dstv.at[pl.ds((NCH - 2 + b) * CH, CH)]],
            ssems[b]).wait()

    plsc.subcore_barrier()

    @pl.when(sid < ZTILES)
    def _():
        sl = pl.ds(sid * RB, RB)
        pltpu.sync_copy(acc.at[sl], part_hbm.at[cid, sl])


@functools.cache
def _make_prop(W):
    return pl.kernel(
        functools.partial(_prop_body, W),
        out_type=jax.ShapeDtypeStruct((NC, N, W), jnp.float32),
        mesh=_mesh(),
        scratch_types=[
            pltpu.VMEM((EW,), jnp.int32),
            pltpu.VMEM((EW,), jnp.int32),
            pltpu.VMEM((2, CH, W), jnp.float32),
            pltpu.VMEM_SHARED((N, W), jnp.float32),
            pltpu.SemaphoreType.DMA,
            pltpu.SemaphoreType.DMA,
            pltpu.SemaphoreType.DMA,
            pltpu.SemaphoreType.DMA,
        ],
        compiler_params=pltpu.CompilerParams(use_tc_tiling_on_sc=False),
    )


def _elu(v):
    return jnp.where(v > 0, v, jnp.exp(jnp.minimum(v, 0.0)) - 1.0)


def _tcb_body(do_ref, di_ref, x_ref, w_ref, t_ref, a_ref, b_ref):
    a1 = lax.rsqrt(jnp.maximum(do_ref[0, 0] + do_ref[0, 1], 1.0))
    b1 = lax.rsqrt(jnp.maximum(di_ref[0, 0] + di_ref[0, 1], 1.0))
    xw = jnp.dot(x_ref[...], w_ref[...], preferred_element_type=jnp.float32)
    t_ref[...] = xw * a1.reshape(RB, 1)
    a_ref[...] = a1.reshape(1, 1, RB)
    b_ref[...] = b1.reshape(1, 1, RB)


def _tcd_body(p_ref, a_ref, b_ref, x_ref, w2_ref, bias_ref, w1p_ref,
              h_ref, t2_ref):
    axw = (p_ref[0] + p_ref[1]) * b_ref[0, 0].reshape(RB, 1)
    xw2 = jnp.dot(x_ref[...], w2_ref[...], preferred_element_type=jnp.float32)
    s = _elu(axw + xw2 + bias_ref[...])
    h = _elu(0.5 * (s[:, :C] + s[:, C:]))
    h_ref[...] = h
    t2_ref[...] = jnp.dot(h, w1p_ref[...],
                          preferred_element_type=jnp.float32) * a_ref[0, 0].reshape(RB, 1)


def _tcf_body(p_ref, b_ref, h_ref, w2p_ref, bp_ref, o_ref):
    z = (p_ref[0] + p_ref[1]) * b_ref[0, 0].reshape(RB, 1)
    logits = z + jnp.dot(h_ref[...], w2p_ref[...],
                         preferred_element_type=jnp.float32) + bp_ref[...]
    m = jnp.max(logits, axis=1, keepdims=True)
    e = jnp.exp(logits - m)
    o_ref[...] = (e / jnp.sum(e, axis=1, keepdims=True))[:, :OUT]


def _row_spec(w):
    return pl.BlockSpec((RB, w), lambda i: (i, 0))


def _part_spec(w):
    return pl.BlockSpec((NC, RB, w), lambda i: (0, i, 0))


def _full_spec(r, w):
    return pl.BlockSpec((r, w), lambda i: (0, 0))


_tcB = pl.pallas_call(
    _tcb_body,
    grid=(N // RB,),
    in_specs=[pl.BlockSpec((1, NC, RB), lambda i: (i, 0, 0)),
              pl.BlockSpec((1, NC, RB), lambda i: (i, 0, 0)),
              _row_spec(F), _full_spec(F, 2 * C)],
    out_specs=[_row_spec(2 * C),
               pl.BlockSpec((1, 1, RB), lambda i: (i, 0, 0)),
               pl.BlockSpec((1, 1, RB), lambda i: (i, 0, 0))],
    out_shape=[
        jax.ShapeDtypeStruct((N, 2 * C), jnp.float32),
        jax.ShapeDtypeStruct((N // RB, 1, RB), jnp.float32),
        jax.ShapeDtypeStruct((N // RB, 1, RB), jnp.float32),
    ],
)

_tcD = pl.pallas_call(
    _tcd_body,
    grid=(N // RB,),
    in_specs=[_part_spec(2 * C),
              pl.BlockSpec((1, 1, RB), lambda i: (i, 0, 0)),
              pl.BlockSpec((1, 1, RB), lambda i: (i, 0, 0)), _row_spec(F),
              _full_spec(F, 2 * C), _full_spec(1, 2 * C), _full_spec(C, 8)],
    out_specs=[_row_spec(C), _row_spec(8)],
    out_shape=[
        jax.ShapeDtypeStruct((N, C), jnp.float32),
        jax.ShapeDtypeStruct((N, 8), jnp.float32),
    ],
)

_tcF = pl.pallas_call(
    _tcf_body,
    grid=(N // RB,),
    in_specs=[_part_spec(8),
              pl.BlockSpec((1, 1, RB), lambda i: (i, 0, 0)), _row_spec(C),
              _full_spec(C, 8), _full_spec(1, 8)],
    out_specs=_row_spec(OUT),
    out_shape=jax.ShapeDtypeStruct((N, OUT), jnp.float32),
)


def kernel(x, edge_index, L1_k0_W1, L1_k0_W2, L1_k0_b, L1_k1_W1, L1_k1_W2,
           L1_k1_b, L2_W1, L2_W2, L2_b):
    src3 = edge_index[0]
    dst3 = edge_index[1]
    ones_ch = jnp.ones((CH, 8), jnp.float32)
    zeros_n32 = jnp.zeros((N, 2 * C), jnp.float32)
    zeros_n8 = jnp.zeros((N, 8), jnp.float32)

    dego_p, degi_p = _deg_call()(src3, dst3, ones_ch, zeros_n8)

    wcat = jnp.concatenate([L1_k0_W1, L1_k1_W1], axis=1)
    table1, a_n1, b_n1 = _tcB(dego_p, degi_p, x, wcat)

    part1 = _make_prop(2 * C)(table1, src3, dst3, zeros_n32)

    w2cat = jnp.concatenate([L1_k0_W2, L1_k1_W2], axis=1)
    bias01 = jnp.concatenate([L1_k0_b, L1_k1_b]).reshape(1, 2 * C)
    w1p = jnp.pad(L2_W1, ((0, 0), (0, 1)))
    h, table2 = _tcD(part1, a_n1, b_n1, x, w2cat, bias01, w1p)

    part2 = _make_prop(8)(table2, src3, dst3, zeros_n8)

    w2p = jnp.pad(L2_W2, ((0, 0), (0, 1)))
    bp = jnp.concatenate(
        [L2_b, jnp.full((1,), -1e30, jnp.float32)]).reshape(1, 8)
    return _tcF(part2, b_n1, h, w2p, bp)

# --- scband reference (transcript-rebuilt; emitter-appended) ---
"""Pipeline reference for scband-armanet-36859409334534 (READ-ONLY COPY).

The authoritative reference and input builder live on the scoring server;
editing this copy changes nothing except your own understanding.
"""

import jax, jax.numpy as jnp
import numpy as np

N, E, F, C, N_OUT = 10000, 320000, 128, 16, 7


def setup_inputs(seed: int = 0) -> dict:
    key = jax.random.key(seed)
    ks = jax.random.split(key, 12)
    x = jax.random.normal(ks[0], (N, F), dtype=jnp.float32)
    edge_index = jax.random.randint(ks[1], (2, E), 0, N, dtype=jnp.int32)
    s = 0.05
    return {
        "x": x,
        "edge_index": edge_index,
        "L1_k0_W1": jax.random.normal(ks[2], (F, C), dtype=jnp.float32) * s,
        "L1_k0_W2": jax.random.normal(ks[3], (F, C), dtype=jnp.float32) * s,
        "L1_k0_b": jnp.zeros((C,), dtype=jnp.float32),
        "L1_k1_W1": jax.random.normal(ks[4], (F, C), dtype=jnp.float32) * s,
        "L1_k1_W2": jax.random.normal(ks[5], (F, C), dtype=jnp.float32) * s,
        "L1_k1_b": jnp.zeros((C,), dtype=jnp.float32),
        "L2_W1": jax.random.normal(ks[6], (C, N_OUT), dtype=jnp.float32) * s,
        "L2_W2": jax.random.normal(ks[7], (C, N_OUT), dtype=jnp.float32) * s,
        "L2_b": jnp.zeros((N_OUT,), dtype=jnp.float32),
    }


def _norm_coef(edge_index, n, dtype):
    src = edge_index[0]
    dst = edge_index[1]
    ones = jnp.ones((edge_index.shape[1],), dtype=dtype)
    deg_out = jax.ops.segment_sum(ones, src, num_segments=n)
    deg_in = jax.ops.segment_sum(ones, dst, num_segments=n)
    deg_out = jnp.clip(deg_out, 1.0, None)
    deg_in = jnp.clip(deg_in, 1.0, None)
    return jax.lax.rsqrt(deg_out)[src] * jax.lax.rsqrt(deg_in)[dst]


def reference(x, edge_index, L1_k0_W1, L1_k0_W2, L1_k0_b, L1_k1_W1, L1_k1_W2, L1_k1_b, L2_W1, L2_W2, L2_b):
    src = edge_index[0]
    dst = edge_index[1]
    norm = _norm_coef(edge_index, N, x.dtype)

    def propagate(h):
        msgs = h[src] * norm[:, None]
        return jax.ops.segment_sum(msgs, dst, num_segments=N)

    # ARMAConv layer 1: channels=16, iterations=1, order=2,
    # gcn_activation=elu (inside each stack), activation=elu (after stack mean).
    # Dropout on skip connection is identity at inference.
    ax = propagate(x)
    s0 = jax.nn.elu(ax @ L1_k0_W1 + x @ L1_k0_W2 + L1_k0_b)
    s1 = jax.nn.elu(ax @ L1_k1_W1 + x @ L1_k1_W2 + L1_k1_b)
    h = jax.nn.elu((s0 + s1) * 0.5)

    # Dropout(0.5) between layers is identity at inference.
    # ARMAConv layer 2: n_out=7, iterations=1, order=1,
    # gcn_activation=None, activation=softmax.
    ah = propagate(h)
    out = ah @ L2_W1 + h @ L2_W2 + L2_b
    return jax.nn.softmax(out, axis=-1)

if __name__ == "__main__":
    import jax
    _d = setup_inputs()
    print(jax.jit(kernel)(*tuple(_d.values())))

</pallas_src>

<mosaic_0001>
#map = affine_map<(d0, d1) -> (0)>
#map1 = affine_map<(d0, d1) -> (0, 0)>
#map2 = affine_map<(d0, d1) -> (0, 0, 0)>
module attributes {stable_mosaic.version = 14 : i64} {
  func.func @_deg_body(%arg0: i32, %arg1: i32, %arg2: memref<320000xi32, #tpu.memory_space<hbm>>, %arg3: memref<320000xi32, #tpu.memory_space<hbm>>, %arg4: memref<1000x8xf32, #tpu.memory_space<hbm>>, %arg5: memref<10000x8xf32, #tpu.memory_space<hbm>>, %arg6: memref<10x2x1000xf32, #tpu.memory_space<hbm>>, %arg7: memref<10x2x1000xf32, #tpu.memory_space<hbm>>, %arg8: memref<10000xi32, #tpu.memory_space<vmem>>, %arg9: memref<10000xi32, #tpu.memory_space<vmem>>, %arg10: memref<1000x8xf32, #tpu.memory_space<vmem>>, %arg11: memref<10000x8xf32, #tpu.memory_space<vmem_shared>>, %arg12: memref<10000x8xf32, #tpu.memory_space<vmem_shared>>, %arg13: memref<1008x8xf32, #tpu.memory_space<vmem>>, %arg14: memref<1008xf32, #tpu.memory_space<vmem>>, %arg15: memref<!tpu.dma_semaphore, #tpu.memory_space<semaphore_mem>>) attributes {dimension_semantics = [#tpu.dimension_semantics<core_parallel>, #tpu.dimension_semantics<subcore_parallel>], iteration_bounds = array<i64: 2, 16>, scalar_prefetch = 0 : i64, scratch_operands = 8 : i64, tpu.core_type = #tpu.core_type<sc_vector_subcore>, window_params = [{transform_indices = #map}, {transform_indices = #map}, {transform_indices = #map1}, {transform_indices = #map1}, {transform_indices = #map2}, {transform_indices = #map2}]} {
    %mul3A = arith.constant 2 : i32
    %mul3A_0 = arith.muli %arg1, %mul3A : i32
    %add3A = arith.addi %mul3A_0, %arg0 : i32
    %lt3A = arith.constant 10 : i32
    %lt3A_1 = arith.cmpi slt, %arg1, %lt3A : i32
    %convert_element_type3A = arith.extui %lt3A_1 : i1 to i32
    %cond3A = arith.constant 0 : i32
    %cond3A_2 = arith.cmpi ne, %convert_element_type3A, %cond3A : i32
    scf.if %cond3A_2 {
      %mul3A_24 = arith.constant 1000 : i32
      %mul3A_25 = arith.muli %arg1, %mul3A_24 : i32
      "tpu.region"() ({
        %run_scoped3A = tpu.sem_alloc : memref<!tpu.dma_semaphore, #tpu.memory_space<semaphore_mem>>
        %dma_start3A = arith.constant 0 : i32
        %dma_start3A_26 = tpu.memref_slice %arg11[%mul3A_25, %dma_start3A] : memref<10000x8xf32, #tpu.memory_space<vmem_shared>> -> memref<1000x8xf32, #tpu.memory_space<vmem_shared>>
        %dma_start3A_27 = arith.constant 0 : i32
        %dma_start3A_28 = tpu.memref_slice %arg5[%mul3A_25, %dma_start3A_27] : memref<10000x8xf32, #tpu.memory_space<hbm>> -> memref<1000x8xf32, #tpu.memory_space<hbm>>
        tpu.enqueue_dma source(%dma_start3A_28 : memref<1000x8xf32, #tpu.memory_space<hbm>>) target(%dma_start3A_26 : memref<1000x8xf32, #tpu.memory_space<vmem_shared>>) target_semaphore(%run_scoped3A : memref<!tpu.dma_semaphore, #tpu.memory_space<semaphore_mem>>)
        %dma_wait3A = arith.constant 0 : i32
        %dma_wait3A_29 = tpu.memref_slice %arg11[%mul3A_25, %dma_wait3A] : memref<10000x8xf32, #tpu.memory_space<vmem_shared>> -> memref<1000x8xf32, #tpu.memory_space<vmem_shared>>
        %dma_wait3A_30 = arith.constant 0 : i32
        %dma_wait3A_31 = tpu.memref_slice %arg5[%mul3A_25, %dma_wait3A_30] : memref<10000x8xf32, #tpu.memory_space<hbm>> -> memref<1000x8xf32, #tpu.memory_space<hbm>>
        tpu.wait_dma2 semaphore(%run_scoped3A : memref<!tpu.dma_semaphore, #tpu.memory_space<semaphore_mem>>) src(%dma_wait3A_31 : memref<1000x8xf32, #tpu.memory_space<hbm>>) dst(%dma_wait3A_29 : memref<1000x8xf32, #tpu.memory_space<vmem_shared>>)
        tpu.yield
      }) : () -> ()
      "tpu.region"() ({
        %run_scoped3A = tpu.sem_alloc : memref<!tpu.dma_semaphore, #tpu.memory_space<semaphore_mem>>
        %dma_start3A = arith.constant 0 : i32
        %dma_start3A_26 = tpu.memref_slice %arg12[%mul3A_25, %dma_start3A] : memref<10000x8xf32, #tpu.memory_space<vmem_shared>> -> memref<1000x8xf32, #tpu.memory_space<vmem_shared>>
        %dma_start3A_27 = arith.constant 0 : i32
        %dma_start3A_28 = tpu.memref_slice %arg5[%mul3A_25, %dma_start3A_27] : memref<10000x8xf32, #tpu.memory_space<hbm>> -> memref<1000x8xf32, #tpu.memory_space<hbm>>
        tpu.enqueue_dma source(%dma_start3A_28 : memref<1000x8xf32, #tpu.memory_space<hbm>>) target(%dma_start3A_26 : memref<1000x8xf32, #tpu.memory_space<vmem_shared>>) target_semaphore(%run_scoped3A : memref<!tpu.dma_semaphore, #tpu.memory_space<semaphore_mem>>)
        %dma_wait3A = arith.constant 0 : i32
        %dma_wait3A_29 = tpu.memref_slice %arg12[%mul3A_25, %dma_wait3A] : memref<10000x8xf32, #tpu.memory_space<vmem_shared>> -> memref<1000x8xf32, #tpu.memory_space<vmem_shared>>
        %dma_wait3A_30 = arith.constant 0 : i32
        %dma_wait3A_31 = tpu.memref_slice %arg5[%mul3A_25, %dma_wait3A_30] : memref<10000x8xf32, #tpu.memory_space<hbm>> -> memref<1000x8xf32, #tpu.memory_space<hbm>>
        tpu.wait_dma2 semaphore(%run_scoped3A : memref<!tpu.dma_semaphore, #tpu.memory_space<semaphore_mem>>) src(%dma_wait3A_31 : memref<1000x8xf32, #tpu.memory_space<hbm>>) dst(%dma_wait3A_29 : memref<1000x8xf32, #tpu.memory_space<vmem_shared>>)
        tpu.yield
      }) : () -> ()
    } else {
    }
    %mul3A_3 = arith.constant 10000 : i32
    %mul3A_4 = arith.muli %add3A, %mul3A_3 : i32
    "tpu.region"() ({
      %run_scoped3A = tpu.sem_alloc : memref<!tpu.dma_semaphore, #tpu.memory_space<semaphore_mem>>
      %dma_start3A = tpu.memref_slice %arg2[%mul3A_4] : memref<320000xi32, #tpu.memory_space<hbm>> -> memref<10000xi32, #tpu.memory_space<hbm>>
      %dma_start3A_24 = tpu.memref_slice %arg2[%mul3A_4] : memref<320000xi32, #tpu.memory_space<hbm>> -> memref<10000xi32, #tpu.memory_space<hbm>>
      tpu.enqueue_dma source(%dma_start3A_24 : memref<10000xi32, #tpu.memory_space<hbm>>) target(%arg8 : memref<10000xi32, #tpu.memory_space<vmem>>) target_semaphore(%run_scoped3A : memref<!tpu.dma_semaphore, #tpu.memory_space<semaphore_mem>>)
      %dma_wait3A = tpu.memref_slice %arg2[%mul3A_4] : memref<320000xi32, #tpu.memory_space<hbm>> -> memref<10000xi32, #tpu.memory_space<hbm>>
      %dma_wait3A_25 = tpu.memref_slice %arg2[%mul3A_4] : memref<320000xi32, #tpu.memory_space<hbm>> -> memref<10000xi32, #tpu.memory_space<hbm>>
      tpu.wait_dma2 semaphore(%run_scoped3A : memref<!tpu.dma_semaphore, #tpu.memory_space<semaphore_mem>>) src(%dma_wait3A_25 : memref<10000xi32, #tpu.memory_space<hbm>>) dst(%arg8 : memref<10000xi32, #tpu.memory_space<vmem>>)
      tpu.yield
    }) : () -> ()
    %mul3A_5 = arith.constant 10000 : i32
    %mul3A_6 = arith.muli %add3A, %mul3A_5 : i32
    "tpu.region"() ({
      %run_scoped3A = tpu.sem_alloc : memref<!tpu.dma_semaphore, #tpu.memory_space<semaphore_mem>>
      %dma_start3A = tpu.memref_slice %arg3[%mul3A_6] : memref<320000xi32, #tpu.memory_space<hbm>> -> memref<10000xi32, #tpu.memory_space<hbm>>
      %dma_start3A_24 = tpu.memref_slice %arg3[%mul3A_6] : memref<320000xi32, #tpu.memory_space<hbm>> -> memref<10000xi32, #tpu.memory_space<hbm>>
      tpu.enqueue_dma source(%dma_start3A_24 : memref<10000xi32, #tpu.memory_space<hbm>>) target(%arg9 : memref<10000xi32, #tpu.memory_space<vmem>>) target_semaphore(%run_scoped3A : memref<!tpu.dma_semaphore, #tpu.memory_space<semaphore_mem>>)
      %dma_wait3A = tpu.memref_slice %arg3[%mul3A_6] : memref<320000xi32, #tpu.memory_space<hbm>> -> memref<10000xi32, #tpu.memory_space<hbm>>
      %dma_wait3A_25 = tpu.memref_slice %arg3[%mul3A_6] : memref<320000xi32, #tpu.memory_space<hbm>> -> memref<10000xi32, #tpu.memory_space<hbm>>
      tpu.wait_dma2 semaphore(%run_scoped3A : memref<!tpu.dma_semaphore, #tpu.memory_space<semaphore_mem>>) src(%dma_wait3A_25 : memref<10000xi32, #tpu.memory_space<hbm>>) dst(%arg9 : memref<10000xi32, #tpu.memory_space<vmem>>)
      tpu.yield
    }) : () -> ()
    "tpu.region"() ({
      %run_scoped3A = tpu.sem_alloc : memref<!tpu.dma_semaphore, #tpu.memory_space<semaphore_mem>>
      tpu.enqueue_dma source(%arg4 : memref<1000x8xf32, #tpu.memory_space<hbm>>) target(%arg10 : memref<1000x8xf32, #tpu.memory_space<vmem>>) target_semaphore(%run_scoped3A : memref<!tpu.dma_semaphore, #tpu.memory_space<semaphore_mem>>)
      tpu.wait_dma2 semaphore(%run_scoped3A : memref<!tpu.dma_semaphore, #tpu.memory_space<semaphore_mem>>) src(%arg4 : memref<1000x8xf32, #tpu.memory_space<hbm>>) dst(%arg10 : memref<1000x8xf32, #tpu.memory_space<vmem>>)
      tpu.yield
    }) : () -> ()
    %barrier3A = arith.constant 0 : index
    tpu.barrier barrier_id(%barrier3A)
    %scan3A = arith.constant 0 : i32
    %scan3A_7 = arith.constant 0 : i32
    %scan3A_8 = arith.constant 10 : i32
    %scan3A_9 = arith.addi %scan3A_7, %scan3A_8 : i32
    %scan3A_10 = arith.constant 1 : i32
    scf.for %scan3A_24 = %scan3A_7 to %scan3A_9 step %scan3A_10  : i32 {
      %mul3A_25 = arith.constant 1000 : i32
      %mul3A_26 = arith.muli %scan3A_24, %mul3A_25 : i32
      %dma_start3A = tpu.memref_slice %arg8[%mul3A_26] : memref<10000xi32, #tpu.memory_space<vmem>> -> memref<1000xi32, #tpu.memory_space<vmem>>
      %dma_start3A_27 = arith.constant 0 : i32
      %dma_start3A_28 = arith.constant 0 : i32
      %dma_start3A_29 = tpu.memref_slice %arg11[%dma_start3A_27, %dma_start3A_28] : memref<10000x8xf32, #tpu.memory_space<vmem_shared>> -> memref<10000x8xf32, #tpu.memory_space<vmem_shared>>
      tpu.enqueue_indirect_dma source(%arg10 : memref<1000x8xf32, #tpu.memory_space<vmem>>) target(%dma_start3A_29 : memref<10000x8xf32, #tpu.memory_space<vmem_shared>>) offsets(%dma_start3A : memref<1000xi32, #tpu.memory_space<vmem>>) semaphore(%arg15 : memref<!tpu.dma_semaphore, #tpu.memory_space<semaphore_mem>>) {add = true}
      %mul3A_30 = arith.constant 1000 : i32
      %mul3A_31 = arith.muli %scan3A_24, %mul3A_30 : i32
      %dma_start3A_32 = tpu.memref_slice %arg9[%mul3A_31] : memref<10000xi32, #tpu.memory_space<vmem>> -> memref<1000xi32, #tpu.memory_space<vmem>>
      %dma_start3A_33 = arith.constant 0 : i32
      %dma_start3A_34 = arith.constant 0 : i32
      %dma_start3A_35 = tpu.memref_slice %arg12[%dma_start3A_33, %dma_start3A_34] : memref<10000x8xf32, #tpu.memory_space<vmem_shared>> -> memref<10000x8xf32, #tpu.memory_space<vmem_shared>>
      tpu.enqueue_indirect_dma source(%arg10 : memref<1000x8xf32, #tpu.memory_space<vmem>>) target(%dma_start3A_35 : memref<10000x8xf32, #tpu.memory_space<vmem_shared>>) offsets(%dma_start3A_32 : memref<1000xi32, #tpu.memory_space<vmem>>) semaphore(%arg15 : memref<!tpu.dma_semaphore, #tpu.memory_space<semaphore_mem>>) {add = true}
    }
    %scan3A_11 = arith.constant 10 : i32
    %scan3A_12 = arith.constant 0 : i32
    %scan3A_13 = arith.constant 0 : i32
    %scan3A_14 = arith.constant 10 : i32
    %scan3A_15 = arith.addi %scan3A_13, %scan3A_14 : i32
    %scan3A_16 = arith.constant 1 : i32
    scf.for %scan3A_24 = %scan3A_13 to %scan3A_15 step %scan3A_16  : i32 {
      %dma_wait3A = arith.constant 0 : i32
      %dma_wait3A_25 = tpu.memref_slice %arg8[%dma_wait3A] : memref<10000xi32, #tpu.memory_space<vmem>> -> memref<1000xi32, #tpu.memory_space<vmem>>
      %dma_wait3A_26 = arith.constant 0 : i32
      %dma_wait3A_27 = arith.constant 0 : i32
      %dma_wait3A_28 = tpu.memref_slice %arg11[%dma_wait3A_26, %dma_wait3A_27] : memref<10000x8xf32, #tpu.memory_space<vmem_shared>> -> memref<10000x8xf32, #tpu.memory_space<vmem_shared>>
      tpu.wait_indirect_dma semaphore(%arg15 : memref<!tpu.dma_semaphore, #tpu.memory_space<semaphore_mem>>) src(%arg10 : memref<1000x8xf32, #tpu.memory_space<vmem>>) dst(%dma_wait3A_28 : memref<10000x8xf32, #tpu.memory_space<vmem_shared>>)
      %dma_wait3A_29 = arith.constant 0 : i32
      %dma_wait3A_30 = tpu.memref_slice %arg9[%dma_wait3A_29] : memref<10000xi32, #tpu.memory_space<vmem>> -> memref<1000xi32, #tpu.memory_space<vmem>>
      %dma_wait3A_31 = arith.constant 0 : i32
      %dma_wait3A_32 = arith.constant 0 : i32
      %dma_wait3A_33 = tpu.memref_slice %arg12[%dma_wait3A_31, %dma_wait3A_32] : memref<10000x8xf32, #tpu.memory_space<vmem_shared>> -> memref<10000x8xf32, #tpu.memory_space<vmem_shared>>
      tpu.wait_indirect_dma semaphore(%arg15 : memref<!tpu.dma_semaphore, #tpu.memory_space<semaphore_mem>>) src(%arg10 : memref<1000x8xf32, #tpu.memory_space<vmem>>) dst(%dma_wait3A_33 : memref<10000x8xf32, #tpu.memory_space<vmem_shared>>)
    }
    %scan3A_17 = arith.constant 10 : i32
    %barrier3A_18 = arith.constant 0 : index
    tpu.barrier barrier_id(%barrier3A_18)
    %lt3A_19 = arith.constant 10 : i32
    %lt3A_20 = arith.cmpi slt, %arg1, %lt3A_19 : i32
    %convert_element_type3A_21 = arith.extui %lt3A_20 : i1 to i32
    %cond3A_22 = arith.constant 0 : i32
    %cond3A_23 = arith.cmpi ne, %convert_element_type3A_21, %cond3A_22 : i32
    scf.if %cond3A_23 {
      %mul3A_24 = arith.constant 1000 : i32
      %mul3A_25 = arith.muli %arg1, %mul3A_24 : i32
      "tpu.region"() ({
        %run_scoped3A = tpu.sem_alloc : memref<!tpu.dma_semaphore, #tpu.memory_space<semaphore_mem>>
        %dma_start3A = arith.constant 0 : i32
        %dma_start3A_38 = arith.constant 0 : i32
        %dma_start3A_39 = tpu.memref_slice %arg13[%dma_start3A, %dma_start3A_38] : memref<1008x8xf32, #tpu.memory_space<vmem>> -> memref<1000x8xf32, #tpu.memory_space<vmem>>
        %dma_start3A_40 = arith.constant 0 : i32
        %dma_start3A_41 = tpu.memref_slice %arg11[%mul3A_25, %dma_start3A_40] : memref<10000x8xf32, #tpu.memory_space<vmem_shared>> -> memref<1000x8xf32, #tpu.memory_space<vmem_shared>>
        %dma_start3A_42 = arith.constant 0 : i32
        %dma_start3A_43 = arith.constant 0 : i32
        %dma_start3A_44 = tpu.memref_slice %arg13[%dma_start3A_42, %dma_start3A_43] : memref<1008x8xf32, #tpu.memory_space<vmem>> -> memref<1000x8xf32, #tpu.memory_space<vmem>>
        %dma_start3A_45 = arith.constant 0 : i32
        %dma_start3A_46 = tpu.memref_slice %arg11[%mul3A_25, %dma_start3A_45] : memref<10000x8xf32, #tpu.memory_space<vmem_shared>> -> memref<1000x8xf32, #tpu.memory_space<vmem_shared>>
        tpu.enqueue_dma source(%dma_start3A_46 : memref<1000x8xf32, #tpu.memory_space<vmem_shared>>) target(%dma_start3A_44 : memref<1000x8xf32, #tpu.memory_space<vmem>>) target_semaphore(%run_scoped3A : memref<!tpu.dma_semaphore, #tpu.memory_space<semaphore_mem>>)
        %dma_wait3A = arith.constant 0 : i32
        %dma_wait3A_47 = arith.constant 0 : i32
        %dma_wait3A_48 = tpu.memref_slice %arg13[%dma_wait3A, %dma_wait3A_47] : memref<1008x8xf32, #tpu.memory_space<vmem>> -> memref<1000x8xf32, #tpu.memory_space<vmem>>
        %dma_wait3A_49 = arith.constant 0 : i32
        %dma_wait3A_50 = tpu.memref_slice %arg11[%mul3A_25, %dma_wait3A_49] : memref<10000x8xf32, #tpu.memory_space<vmem_shared>> -> memref<1000x8xf32, #tpu.memory_space<vmem_shared>>
        %dma_wait3A_51 = arith.constant 0 : i32
        %dma_wait3A_52 = arith.constant 0 : i32
        %dma_wait3A_53 = tpu.memref_slice %arg13[%dma_wait3A_51, %dma_wait3A_52] : memref<1008x8xf32, #tpu.memory_space<vmem>> -> memref<1000x8xf32, #tpu.memory_space<vmem>>
        %dma_wait3A_54 = arith.constant 0 : i32
        %dma_wait3A_55 = tpu.memref_slice %arg11[%mul3A_25, %dma_wait3A_54] : memref<10000x8xf32, #tpu.memory_space<vmem_shared>> -> memref<1000x8xf32, #tpu.memory_space<vmem_shared>>
        tpu.wait_dma2 semaphore(%run_scoped3A : memref<!tpu.dma_semaphore, #tpu.memory_space<semaphore_mem>>) src(%dma_wait3A_55 : memref<1000x8xf32, #tpu.memory_space<vmem_shared>>) dst(%dma_wait3A_53 : memref<1000x8xf32, #tpu.memory_space<vmem>>)
        tpu.yield
      }) : () -> ()
      %scan3A_26 = arith.constant 0 : i32
      %scan3A_27 = arith.constant 0 : i32
      %scan3A_28 = arith.constant 63 : i32
      %scan3A_29 = arith.addi %scan3A_27, %scan3A_28 : i32
      %scan3A_30 = arith.constant 1 : i32
      scf.for %scan3A_38 = %scan3A_27 to %scan3A_29 step %scan3A_30  : i32 {
        %mul3A_39 = arith.constant 16 : i32
        %mul3A_40 = arith.muli %scan3A_38, %mul3A_39 : i32
        %iota3A = tpu.iota {dimensions = array<i32: 0>} : vector<16xi32>
        %add3A_41 = vector.broadcast %mul3A_40 : i32 to vector<16xi32>
        %add3A_42 = arith.addi %add3A_41, %iota3A : vector<16xi32>
        %broadcast_in_dim3A = arith.constant 0 : i32
        %broadcast_in_dim3A_43 = vector.broadcast %broadcast_in_dim3A : i32 to vector<16xi32>
        %gather3A = tpu.vector_load_idx %arg13[%add3A_42, %broadcast_in_dim3A_43] : memref<1008x8xf32, #tpu.memory_space<vmem>>[vector<16xi32>, vector<16xi32>], vector<16xf32>,
        %mul3A_44 = arith.constant 16 : i32
        %mul3A_45 = arith.muli %scan3A_38, %mul3A_44 : i32
        %swap3A = arith.index_cast %mul3A_45 : i32 to index
        %swap3A_46 = tpu.vector_load %arg14[%swap3A] {strides = array<i32>} : memref<1008xf32, #tpu.memory_space<vmem>>, vector<16xf32>,
        tpu.vector_store %arg14[%swap3A], %gather3A {strides = array<i32>} : memref<1008xf32, #tpu.memory_space<vmem>>, vector<16xf32>,
      }
      %scan3A_31 = arith.constant 63 : i32
      "tpu.region"() ({
        %run_scoped3A = tpu.sem_alloc : memref<!tpu.dma_semaphore, #tpu.memory_space<semaphore_mem>>
        %dma_start3A = arith.constant 0 : i32
        %dma_start3A_38 = tpu.memref_slice %arg14[%dma_start3A] : memref<1008xf32, #tpu.memory_space<vmem>> -> memref<1000xf32, #tpu.memory_space<vmem>>
        %dma_start3A_39 = arith.constant 0 : i32
        %dma_start3A_40 = tpu.memref_slice %arg6[%arg1, %arg0, %dma_start3A_39] : memref<10x2x1000xf32, #tpu.memory_space<hbm>> -> memref<1x1x1000xf32, #tpu.memory_space<hbm>>
        %dma_start3A_41 = tpu.memref_squeeze %dma_start3A_40 : memref<1x1x1000xf32, #tpu.memory_space<hbm>> -> memref<1000xf32, #tpu.memory_space<hbm>>
        %dma_start3A_42 = arith.constant 0 : i32
        %dma_start3A_43 = tpu.memref_slice %arg6[%arg1, %arg0, %dma_start3A_42] : memref<10x2x1000xf32, #tpu.memory_space<hbm>> -> memref<1x1x1000xf32, #tpu.memory_space<hbm>>
        %dma_start3A_44 = tpu.memref_squeeze %dma_start3A_43 : memref<1x1x1000xf32, #tpu.memory_space<hbm>> -> memref<1000xf32, #tpu.memory_space<hbm>>
        %dma_start3A_45 = arith.constant 0 : i32
        %dma_start3A_46 = tpu.memref_slice %arg14[%dma_start3A_45] : memref<1008xf32, #tpu.memory_space<vmem>> -> memref<1000xf32, #tpu.memory_space<vmem>>
        tpu.enqueue_dma source(%dma_start3A_46 : memref<1000xf32, #tpu.memory_space<vmem>>) target(%dma_start3A_44 : memref<1000xf32, #tpu.memory_space<hbm>>) target_semaphore(%run_scoped3A : memref<!tpu.dma_semaphore, #tpu.memory_space<semaphore_mem>>)
        %dma_wait3A = arith.constant 0 : i32
        %dma_wait3A_47 = tpu.memref_slice %arg14[%dma_wait3A] : memref<1008xf32, #tpu.memory_space<vmem>> -> memref<1000xf32, #tpu.memory_space<vmem>>
        %dma_wait3A_48 = arith.constant 0 : i32
        %dma_wait3A_49 = tpu.memref_slice %arg6[%arg1, %arg0, %dma_wait3A_48] : memref<10x2x1000xf32, #tpu.memory_space<hbm>> -> memref<1x1x1000xf32, #tpu.memory_space<hbm>>
        %dma_wait3A_50 = tpu.memref_squeeze %dma_wait3A_49 : memref<1x1x1000xf32, #tpu.memory_space<hbm>> -> memref<1000xf32, #tpu.memory_space<hbm>>
        %dma_wait3A_51 = arith.constant 0 : i32
        %dma_wait3A_52 = tpu.memref_slice %arg6[%arg1, %arg0, %dma_wait3A_51] : memref<10x2x1000xf32, #tpu.memory_space<hbm>> -> memref<1x1x1000xf32, #tpu.memory_space<hbm>>
        %dma_wait3A_53 = tpu.memref_squeeze %dma_wait3A_52 : memref<1x1x1000xf32, #tpu.memory_space<hbm>> -> memref<1000xf32, #tpu.memory_space<hbm>>
        %dma_wait3A_54 = arith.constant 0 : i32
        %dma_wait3A_55 = tpu.memref_slice %arg14[%dma_wait3A_54] : memref<1008xf32, #tpu.memory_space<vmem>> -> memref<1000xf32, #tpu.memory_space<vmem>>
        tpu.wait_dma2 semaphore(%run_scoped3A : memref<!tpu.dma_semaphore, #tpu.memory_space<semaphore_mem>>) src(%dma_wait3A_55 : memref<1000xf32, #tpu.memory_space<vmem>>) dst(%dma_wait3A_53 : memref<1000xf32, #tpu.memory_space<hbm>>)
        tpu.yield
      }) : () -> ()
      "tpu.region"() ({
        %run_scoped3A = tpu.sem_alloc : memref<!tpu.dma_semaphore, #tpu.memory_space<semaphore_mem>>
        %dma_start3A = arith.constant 0 : i32
        %dma_start3A_38 = arith.constant 0 : i32
        %dma_start3A_39 = tpu.memref_slice %arg13[%dma_start3A, %dma_start3A_38] : memref<1008x8xf32, #tpu.memory_space<vmem>> -> memref<1000x8xf32, #tpu.memory_space<vmem>>
        %dma_start3A_40 = arith.constant 0 : i32
        %dma_start3A_41 = tpu.memref_slice %arg12[%mul3A_25, %dma_start3A_40] : memref<10000x8xf32, #tpu.memory_space<vmem_shared>> -> memref<1000x8xf32, #tpu.memory_space<vmem_shared>>
        %dma_start3A_42 = arith.constant 0 : i32
        %dma_start3A_43 = arith.constant 0 : i32
        %dma_start3A_44 = tpu.memref_slice %arg13[%dma_start3A_42, %dma_start3A_43] : memref<1008x8xf32, #tpu.memory_space<vmem>> -> memref<1000x8xf32, #tpu.memory_space<vmem>>
        %dma_start3A_45 = arith.constant 0 : i32
        %dma_start3A_46 = tpu.memref_slice %arg12[%mul3A_25, %dma_start3A_45] : memref<10000x8xf32, #tpu.memory_space<vmem_shared>> -> memref<1000x8xf32, #tpu.memory_space<vmem_shared>>
        tpu.enqueue_dma source(%dma_start3A_46 : memref<1000x8xf32, #tpu.memory_space<vmem_shared>>) target(%dma_start3A_44 : memref<1000x8xf32, #tpu.memory_space<vmem>>) target_semaphore(%run_scoped3A : memref<!tpu.dma_semaphore, #tpu.memory_space<semaphore_mem>>)
        %dma_wait3A = arith.constant 0 : i32
        %dma_wait3A_47 = arith.constant 0 : i32
        %dma_wait3A_48 = tpu.memref_slice %arg13[%dma_wait3A, %dma_wait3A_47] : memref<1008x8xf32, #tpu.memory_space<vmem>> -> memref<1000x8xf32, #tpu.memory_space<vmem>>
        %dma_wait3A_49 = arith.constant 0 : i32
        %dma_wait3A_50 = tpu.memref_slice %arg12[%mul3A_25, %dma_wait3A_49] : memref<10000x8xf32, #tpu.memory_space<vmem_shared>> -> memref<1000x8xf32, #tpu.memory_space<vmem_shared>>
        %dma_wait3A_51 = arith.constant 0 : i32
        %dma_wait3A_52 = arith.constant 0 : i32
        %dma_wait3A_53 = tpu.memref_slice %arg13[%dma_wait3A_51, %dma_wait3A_52] : memref<1008x8xf32, #tpu.memory_space<vmem>> -> memref<1000x8xf32, #tpu.memory_space<vmem>>
        %dma_wait3A_54 = arith.constant 0 : i32
        %dma_wait3A_55 = tpu.memref_slice %arg12[%mul3A_25, %dma_wait3A_54] : memref<10000x8xf32, #tpu.memory_space<vmem_shared>> -> memref<1000x8xf32, #tpu.memory_space<vmem_shared>>
        tpu.wait_dma2 semaphore(%run_scoped3A : memref<!tpu.dma_semaphore, #tpu.memory_space<semaphore_mem>>) src(%dma_wait3A_55 : memref<1000x8xf32, #tpu.memory_space<vmem_shared>>) dst(%dma_wait3A_53 : memref<1000x8xf32, #tpu.memory_space<vmem>>)
        tpu.yield
      }) : () -> ()
      %scan3A_32 = arith.constant 0 : i32
      %scan3A_33 = arith.constant 0 : i32
      %scan3A_34 = arith.constant 63 : i32
      %scan3A_35 = arith.addi %scan3A_33, %scan3A_34 : i32
      %scan3A_36 = arith.constant 1 : i32
      scf.for %scan3A_38 = %scan3A_33 to %scan3A_35 step %scan3A_36  : i32 {
        %mul3A_39 = arith.constant 16 : i32
        %mul3A_40 = arith.muli %scan3A_38, %mul3A_39 : i32
        %iota3A = tpu.iota {dimensions = array<i32: 0>} : vector<16xi32>
        %add3A_41 = vector.broadcast %mul3A_40 : i32 to vector<16xi32>
        %add3A_42 = arith.addi %add3A_41, %iota3A : vector<16xi32>
        %broadcast_in_dim3A = arith.constant 0 : i32
        %broadcast_in_dim3A_43 = vector.broadcast %broadcast_in_dim3A : i32 to vector<16xi32>
        %gather3A = tpu.vector_load_idx %arg13[%add3A_42, %broadcast_in_dim3A_43] : memref<1008x8xf32, #tpu.memory_space<vmem>>[vector<16xi32>, vector<16xi32>], vector<16xf32>,
        %mul3A_44 = arith.constant 16 : i32
        %mul3A_45 = arith.muli %scan3A_38, %mul3A_44 : i32
        %swap3A = arith.index_cast %mul3A_45 : i32 to index
        %swap3A_46 = tpu.vector_load %arg14[%swap3A] {strides = array<i32>} : memref<1008xf32, #tpu.memory_space<vmem>>, vector<16xf32>,
        tpu.vector_store %arg14[%swap3A], %gather3A {strides = array<i32>} : memref<1008xf32, #tpu.memory_space<vmem>>, vector<16xf32>,
      }
      %scan3A_37 = arith.constant 63 : i32
      "tpu.region"() ({
        %run_scoped3A = tpu.sem_alloc : memref<!tpu.dma_semaphore, #tpu.memory_space<semaphore_mem>>
        %dma_start3A = arith.constant 0 : i32
        %dma_start3A_38 = tpu.memref_slice %arg14[%dma_start3A] : memref<1008xf32, #tpu.memory_space<vmem>> -> memref<1000xf32, #tpu.memory_space<vmem>>
        %dma_start3A_39 = arith.constant 0 : i32
        %dma_start3A_40 = tpu.memref_slice %arg7[%arg1, %arg0, %dma_start3A_39] : memref<10x2x1000xf32, #tpu.memory_space<hbm>> -> memref<1x1x1000xf32, #tpu.memory_space<hbm>>
        %dma_start3A_41 = tpu.memref_squeeze %dma_start3A_40 : memref<1x1x1000xf32, #tpu.memory_space<hbm>> -> memref<1000xf32, #tpu.memory_space<hbm>>
        %dma_start3A_42 = arith.constant 0 : i32
        %dma_start3A_43 = tpu.memref_slice %arg7[%arg1, %arg0, %dma_start3A_42] : memref<10x2x1000xf32, #tpu.memory_space<hbm>> -> memref<1x1x1000xf32, #tpu.memory_space<hbm>>
        %dma_start3A_44 = tpu.memref_squeeze %dma_start3A_43 : memref<1x1x1000xf32, #tpu.memory_space<hbm>> -> memref<1000xf32, #tpu.memory_space<hbm>>
        %dma_start3A_45 = arith.constant 0 : i32
        %dma_start3A_46 = tpu.memref_slice %arg14[%dma_start3A_45] : memref<1008xf32, #tpu.memory_space<vmem>> -> memref<1000xf32, #tpu.memory_space<vmem>>
        tpu.enqueue_dma source(%dma_start3A_46 : memref<1000xf32, #tpu.memory_space<vmem>>) target(%dma_start3A_44 : memref<1000xf32, #tpu.memory_space<hbm>>) target_semaphore(%run_scoped3A : memref<!tpu.dma_semaphore, #tpu.memory_space<semaphore_mem>>)
        %dma_wait3A = arith.constant 0 : i32
        %dma_wait3A_47 = tpu.memref_slice %arg14[%dma_wait3A] : memref<1008xf32, #tpu.memory_space<vmem>> -> memref<1000xf32, #tpu.memory_space<vmem>>
        %dma_wait3A_48 = arith.constant 0 : i32
        %dma_wait3A_49 = tpu.memref_slice %arg7[%arg1, %arg0, %dma_wait3A_48] : memref<10x2x1000xf32, #tpu.memory_space<hbm>> -> memref<1x1x1000xf32, #tpu.memory_space<hbm>>
        %dma_wait3A_50 = tpu.memref_squeeze %dma_wait3A_49 : memref<1x1x1000xf32, #tpu.memory_space<hbm>> -> memref<1000xf32, #tpu.memory_space<hbm>>
        %dma_wait3A_51 = arith.constant 0 : i32
        %dma_wait3A_52 = tpu.memref_slice %arg7[%arg1, %arg0, %dma_wait3A_51] : memref<10x2x1000xf32, #tpu.memory_space<hbm>> -> memref<1x1x1000xf32, #tpu.memory_space<hbm>>
        %dma_wait3A_53 = tpu.memref_squeeze %dma_wait3A_52 : memref<1x1x1000xf32, #tpu.memory_space<hbm>> -> memref<1000xf32, #tpu.memory_space<hbm>>
        %dma_wait3A_54 = arith.constant 0 : i32
        %dma_wait3A_55 = tpu.memref_slice %arg14[%dma_wait3A_54] : memref<1008xf32, #tpu.memory_space<vmem>> -> memref<1000xf32, #tpu.memory_space<vmem>>
        tpu.wait_dma2 semaphore(%run_scoped3A : memref<!tpu.dma_semaphore, #tpu.memory_space<semaphore_mem>>) src(%dma_wait3A_55 : memref<1000xf32, #tpu.memory_space<vmem>>) dst(%dma_wait3A_53 : memref<1000xf32, #tpu.memory_space<hbm>>)
        tpu.yield
      }) : () -> ()
    } else {
    }
    return
  }
}

#map = affine_map<(d0, d1) -> (0, 0)>
#map1 = affine_map<(d0, d1) -> (0)>
#map2 = affine_map<(d0, d1) -> (0, 0, 0)>
module attributes {stable_mosaic.version = 14 : i64} {
  func.func @_prop_body(%arg0: i32, %arg1: i32, %arg2: memref<10000x8xf32, #tpu.memory_space<hbm>>, %arg3: memref<320000xi32, #tpu.memory_space<hbm>>, %arg4: memref<320000xi32, #tpu.memory_space<hbm>>, %arg5: memref<10000x8xf32, #tpu.memory_space<hbm>>, %arg6: memref<2x10000x8xf32, #tpu.memory_space<hbm>>, %arg7: memref<10000xi32, #tpu.memory_space<vmem>>, %arg8: memref<10000xi32, #tpu.memory_space<vmem>>, %arg9: memref<2x1000x8xf32, #tpu.memory_space<vmem>>, %arg10: memref<10000x8xf32, #tpu.memory_space<vmem_shared>>, %arg11: memref<!tpu.dma_semaphore, #tpu.memory_space<semaphore_mem>>, %arg12: memref<!tpu.dma_semaphore, #tpu.memory_space<semaphore_mem>>, %arg13: memref<!tpu.dma_semaphore, #tpu.memory_space<semaphore_mem>>, %arg14: memref<!tpu.dma_semaphore, #tpu.memory_space<semaphore_mem>>) attributes {dimension_semantics = [#tpu.dimension_semantics<core_parallel>, #tpu.dimension_semantics<subcore_parallel>], iteration_bounds = array<i64: 2, 16>, scalar_prefetch = 0 : i64, scratch_operands = 8 : i64, tpu.core_type = #tpu.core_type<sc_vector_subcore>, window_params = [{transform_indices = #map}, {transform_indices = #map1}, {transform_indices = #map1}, {transform_indices = #map}, {transform_indices = #map2}]} {
    %mul3A = arith.constant 2 : i32
    %mul3A_0 = arith.muli %arg1, %mul3A : i32
    %add3A = arith.addi %mul3A_0, %arg0 : i32
    %lt3A = arith.constant 10 : i32
    %lt3A_1 = arith.cmpi slt, %arg1, %lt3A : i32
    %convert_element_type3A = arith.extui %lt3A_1 : i1 to i32
    %cond3A = arith.constant 0 : i32
    %cond3A_2 = arith.cmpi ne, %convert_element_type3A, %cond3A : i32
    scf.if %cond3A_2 {
      %mul3A_56 = arith.constant 1000 : i32
      %mul3A_57 = arith.muli %arg1, %mul3A_56 : i32
      "tpu.region"() ({
        %run_scoped3A = tpu.sem_alloc : memref<!tpu.dma_semaphore, #tpu.memory_space<semaphore_mem>>
        %dma_start3A_58 = arith.constant 0 : i32
        %dma_start3A_59 = tpu.memref_slice %arg10[%mul3A_57, %dma_start3A_58] : memref<10000x8xf32, #tpu.memory_space<vmem_shared>> -> memref<1000x8xf32, #tpu.memory_space<vmem_shared>>
        %dma_start3A_60 = arith.constant 0 : i32
        %dma_start3A_61 = tpu.memref_slice %arg5[%mul3A_57, %dma_start3A_60] : memref<10000x8xf32, #tpu.memory_space<hbm>> -> memref<1000x8xf32, #tpu.memory_space<hbm>>
        tpu.enqueue_dma source(%dma_start3A_61 : memref<1000x8xf32, #tpu.memory_space<hbm>>) target(%dma_start3A_59 : memref<1000x8xf32, #tpu.memory_space<vmem_shared>>) target_semaphore(%run_scoped3A : memref<!tpu.dma_semaphore, #tpu.memory_space<semaphore_mem>>)
        %dma_wait3A_62 = arith.constant 0 : i32
        %dma_wait3A_63 = tpu.memref_slice %arg10[%mul3A_57, %dma_wait3A_62] : memref<10000x8xf32, #tpu.memory_space<vmem_shared>> -> memref<1000x8xf32, #tpu.memory_space<vmem_shared>>
        %dma_wait3A_64 = arith.constant 0 : i32
        %dma_wait3A_65 = tpu.memref_slice %arg5[%mul3A_57, %dma_wait3A_64] : memref<10000x8xf32, #tpu.memory_space<hbm>> -> memref<1000x8xf32, #tpu.memory_space<hbm>>
        tpu.wait_dma2 semaphore(%run_scoped3A : memref<!tpu.dma_semaphore, #tpu.memory_space<semaphore_mem>>) src(%dma_wait3A_65 : memref<1000x8xf32, #tpu.memory_space<hbm>>) dst(%dma_wait3A_63 : memref<1000x8xf32, #tpu.memory_space<vmem_shared>>)
        tpu.yield
      }) : () -> ()
    } else {
    }
    %mul3A_3 = arith.constant 10000 : i32
    %mul3A_4 = arith.muli %add3A, %mul3A_3 : i32
    "tpu.region"() ({
      %run_scoped3A = tpu.sem_alloc : memref<!tpu.dma_semaphore, #tpu.memory_space<semaphore_mem>>
      %dma_start3A_56 = tpu.memref_slice %arg3[%mul3A_4] : memref<320000xi32, #tpu.memory_space<hbm>> -> memref<10000xi32, #tpu.memory_space<hbm>>
      %dma_start3A_57 = tpu.memref_slice %arg3[%mul3A_4] : memref<320000xi32, #tpu.memory_space<hbm>> -> memref<10000xi32, #tpu.memory_space<hbm>>
      tpu.enqueue_dma source(%dma_start3A_57 : memref<10000xi32, #tpu.memory_space<hbm>>) target(%arg7 : memref<10000xi32, #tpu.memory_space<vmem>>) target_semaphore(%run_scoped3A : memref<!tpu.dma_semaphore, #tpu.memory_space<semaphore_mem>>)
      %dma_wait3A_58 = tpu.memref_slice %arg3[%mul3A_4] : memref<320000xi32, #tpu.memory_space<hbm>> -> memref<10000xi32, #tpu.memory_space<hbm>>
      %dma_wait3A_59 = tpu.memref_slice %arg3[%mul3A_4] : memref<320000xi32, #tpu.memory_space<hbm>> -> memref<10000xi32, #tpu.memory_space<hbm>>
      tpu.wait_dma2 semaphore(%run_scoped3A : memref<!tpu.dma_semaphore, #tpu.memory_space<semaphore_mem>>) src(%dma_wait3A_59 : memref<10000xi32, #tpu.memory_space<hbm>>) dst(%arg7 : memref<10000xi32, #tpu.memory_space<vmem>>)
      tpu.yield
    }) : () -> ()
    %mul3A_5 = arith.constant 10000 : i32
    %mul3A_6 = arith.muli %add3A, %mul3A_5 : i32
    "tpu.region"() ({
      %run_scoped3A = tpu.sem_alloc : memref<!tpu.dma_semaphore, #tpu.memory_space<semaphore_mem>>
      %dma_start3A_56 = tpu.memref_slice %arg4[%mul3A_6] : memref<320000xi32, #tpu.memory_space<hbm>> -> memref<10000xi32, #tpu.memory_space<hbm>>
      %dma_start3A_57 = tpu.memref_slice %arg4[%mul3A_6] : memref<320000xi32, #tpu.memory_space<hbm>> -> memref<10000xi32, #tpu.memory_space<hbm>>
      tpu.enqueue_dma source(%dma_start3A_57 : memref<10000xi32, #tpu.memory_space<hbm>>) target(%arg8 : memref<10000xi32, #tpu.memory_space<vmem>>) target_semaphore(%run_scoped3A : memref<!tpu.dma_semaphore, #tpu.memory_space<semaphore_mem>>)
      %dma_wait3A_58 = tpu.memref_slice %arg4[%mul3A_6] : memref<320000xi32, #tpu.memory_space<hbm>> -> memref<10000xi32, #tpu.memory_space<hbm>>
      %dma_wait3A_59 = tpu.memref_slice %arg4[%mul3A_6] : memref<320000xi32, #tpu.memory_space<hbm>> -> memref<10000xi32, #tpu.memory_space<hbm>>
      tpu.wait_dma2 semaphore(%run_scoped3A : memref<!tpu.dma_semaphore, #tpu.memory_space<semaphore_mem>>) src(%dma_wait3A_59 : memref<10000xi32, #tpu.memory_space<hbm>>) dst(%arg8 : memref<10000xi32, #tpu.memory_space<vmem>>)
      tpu.yield
    }) : () -> ()
    %barrier3A = arith.constant 0 : index
    tpu.barrier barrier_id(%barrier3A)
    %dma_start3A = arith.constant 0 : i32
    %dma_start3A_7 = arith.constant 0 : i32
    %dma_start3A_8 = arith.constant 0 : i32
    %dma_start3A_9 = tpu.memref_slice %arg9[%dma_start3A, %dma_start3A_7, %dma_start3A_8] : memref<2x1000x8xf32, #tpu.memory_space<vmem>> -> memref<1x1000x8xf32, #tpu.memory_space<vmem>>
    %dma_start3A_10 = tpu.memref_squeeze %dma_start3A_9 : memref<1x1000x8xf32, #tpu.memory_space<vmem>> -> memref<1000x8xf32, #tpu.memory_space<vmem>>
    %dma_start3A_11 = arith.constant 0 : i32
    %dma_start3A_12 = tpu.memref_slice %arg7[%dma_start3A_11] : memref<10000xi32, #tpu.memory_space<vmem>> -> memref<1000xi32, #tpu.memory_space<vmem>>
    %dma_start3A_13 = arith.constant 0 : i32
    %dma_start3A_14 = arith.constant 0 : i32
    %dma_start3A_15 = tpu.memref_slice %arg2[%dma_start3A_13, %dma_start3A_14] : memref<10000x8xf32, #tpu.memory_space<hbm>> -> memref<10000x8xf32, #tpu.memory_space<hbm>>
    tpu.enqueue_indirect_dma source(%dma_start3A_15 : memref<10000x8xf32, #tpu.memory_space<hbm>>) target(%dma_start3A_10 : memref<1000x8xf32, #tpu.memory_space<vmem>>) offsets(%dma_start3A_12 : memref<1000xi32, #tpu.memory_space<vmem>>) semaphore(%arg11 : memref<!tpu.dma_semaphore, #tpu.memory_space<semaphore_mem>>)
    %dma_start3A_16 = arith.constant 1 : i32
    %dma_start3A_17 = arith.constant 0 : i32
    %dma_start3A_18 = arith.constant 0 : i32
    %dma_start3A_19 = tpu.memref_slice %arg9[%dma_start3A_16, %dma_start3A_17, %dma_start3A_18] : memref<2x1000x8xf32, #tpu.memory_space<vmem>> -> memref<1x1000x8xf32, #tpu.memory_space<vmem>>
    %dma_start3A_20 = tpu.memref_squeeze %dma_start3A_19 : memref<1x1000x8xf32, #tpu.memory_space<vmem>> -> memref<1000x8xf32, #tpu.memory_space<vmem>>
    %dma_start3A_21 = arith.constant 1000 : i32
    %dma_start3A_22 = tpu.memref_slice %arg7[%dma_start3A_21] : memref<10000xi32, #tpu.memory_space<vmem>> -> memref<1000xi32, #tpu.memory_space<vmem>>
    %dma_start3A_23 = arith.constant 0 : i32
    %dma_start3A_24 = arith.constant 0 : i32
    %dma_start3A_25 = tpu.memref_slice %arg2[%dma_start3A_23, %dma_start3A_24] : memref<10000x8xf32, #tpu.memory_space<hbm>> -> memref<10000x8xf32, #tpu.memory_space<hbm>>
    tpu.enqueue_indirect_dma source(%dma_start3A_25 : memref<10000x8xf32, #tpu.memory_space<hbm>>) target(%dma_start3A_20 : memref<1000x8xf32, #tpu.memory_space<vmem>>) offsets(%dma_start3A_22 : memref<1000xi32, #tpu.memory_space<vmem>>) semaphore(%arg12 : memref<!tpu.dma_semaphore, #tpu.memory_space<semaphore_mem>>)
    %scan3A = arith.constant 0 : i32
    %scan3A_26 = arith.constant 0 : i32
    %scan3A_27 = arith.constant 5 : i32
    %scan3A_28 = arith.addi %scan3A_26, %scan3A_27 : i32
    %scan3A_29 = arith.constant 1 : i32
    scf.for %scan3A_56 = %scan3A_26 to %scan3A_28 step %scan3A_29  : i32 {
      %mul3A_57 = arith.constant 2 : i32
      %mul3A_58 = arith.muli %mul3A_57, %scan3A_56 : i32
      %add3A_59 = arith.constant 0 : i32
      %add3A_60 = arith.addi %mul3A_58, %add3A_59 : i32
      %mul3A_61 = arith.constant 1000 : i32
      %mul3A_62 = arith.muli %add3A_60, %mul3A_61 : i32
      %dma_wait3A_63 = arith.constant 0 : i32
      %dma_wait3A_64 = arith.constant 0 : i32
      %dma_wait3A_65 = arith.constant 0 : i32
      %dma_wait3A_66 = tpu.memref_slice %arg9[%dma_wait3A_63, %dma_wait3A_64, %dma_wait3A_65] : memref<2x1000x8xf32, #tpu.memory_space<vmem>> -> memref<1x1000x8xf32, #tpu.memory_space<vmem>>
      %dma_wait3A_67 = tpu.memref_squeeze %dma_wait3A_66 : memref<1x1000x8xf32, #tpu.memory_space<vmem>> -> memref<1000x8xf32, #tpu.memory_space<vmem>>
      %dma_wait3A_68 = tpu.memref_slice %arg7[%mul3A_62] : memref<10000xi32, #tpu.memory_space<vmem>> -> memref<1000xi32, #tpu.memory_space<vmem>>
      %dma_wait3A_69 = arith.constant 0 : i32
      %dma_wait3A_70 = arith.constant 0 : i32
      %dma_wait3A_71 = tpu.memref_slice %arg2[%dma_wait3A_69, %dma_wait3A_70] : memref<10000x8xf32, #tpu.memory_space<hbm>> -> memref<10000x8xf32, #tpu.memory_space<hbm>>
      tpu.wait_indirect_dma semaphore(%arg11 : memref<!tpu.dma_semaphore, #tpu.memory_space<semaphore_mem>>) src(%dma_wait3A_71 : memref<10000x8xf32, #tpu.memory_space<hbm>>) dst(%dma_wait3A_67 : memref<1000x8xf32, #tpu.memory_space<vmem>>)
      %mul3A_72 = arith.constant 1000 : i32
      %mul3A_73 = arith.muli %add3A_60, %mul3A_72 : i32
      %dma_start3A_74 = arith.constant 0 : i32
      %dma_start3A_75 = arith.constant 0 : i32
      %dma_start3A_76 = arith.constant 0 : i32
      %dma_start3A_77 = tpu.memref_slice %arg9[%dma_start3A_74, %dma_start3A_75, %dma_start3A_76] : memref<2x1000x8xf32, #tpu.memory_space<vmem>> -> memref<1x1000x8xf32, #tpu.memory_space<vmem>>
      %dma_start3A_78 = tpu.memref_squeeze %dma_start3A_77 : memref<1x1000x8xf32, #tpu.memory_space<vmem>> -> memref<1000x8xf32, #tpu.memory_space<vmem>>
      %dma_start3A_79 = tpu.memref_slice %arg8[%mul3A_73] : memref<10000xi32, #tpu.memory_space<vmem>> -> memref<1000xi32, #tpu.memory_space<vmem>>
      %dma_start3A_80 = arith.constant 0 : i32
      %dma_start3A_81 = arith.constant 0 : i32
      %dma_start3A_82 = tpu.memref_slice %arg10[%dma_start3A_80, %dma_start3A_81] : memref<10000x8xf32, #tpu.memory_space<vmem_shared>> -> memref<10000x8xf32, #tpu.memory_space<vmem_shared>>
      tpu.enqueue_indirect_dma source(%dma_start3A_78 : memref<1000x8xf32, #tpu.memory_space<vmem>>) target(%dma_start3A_82 : memref<10000x8xf32, #tpu.memory_space<vmem_shared>>) offsets(%dma_start3A_79 : memref<1000xi32, #tpu.memory_space<vmem>>) semaphore(%arg13 : memref<!tpu.dma_semaphore, #tpu.memory_space<semaphore_mem>>) {add = true}
      %add3A_83 = arith.constant 2 : i32
      %add3A_84 = arith.addi %add3A_60, %add3A_83 : i32
      %lt3A_85 = arith.constant 10 : i32
      %lt3A_86 = arith.cmpi slt, %add3A_84, %lt3A_85 : i32
      %convert_element_type3A_87 = arith.extui %lt3A_86 : i1 to i32
      %cond3A_88 = arith.constant 0 : i32
      %cond3A_89 = arith.cmpi ne, %convert_element_type3A_87, %cond3A_88 : i32
      scf.if %cond3A_89 {
        %mul3A_123 = arith.constant 1000 : i32
        %mul3A_124 = arith.muli %add3A_60, %mul3A_123 : i32
        %dma_wait3A_125 = arith.constant 0 : i32
        %dma_wait3A_126 = arith.constant 0 : i32
        %dma_wait3A_127 = arith.constant 0 : i32
        %dma_wait3A_128 = tpu.memref_slice %arg9[%dma_wait3A_125, %dma_wait3A_126, %dma_wait3A_127] : memref<2x1000x8xf32, #tpu.memory_space<vmem>> -> memref<1x1000x8xf32, #tpu.memory_space<vmem>>
        %dma_wait3A_129 = tpu.memref_squeeze %dma_wait3A_128 : memref<1x1000x8xf32, #tpu.memory_space<vmem>> -> memref<1000x8xf32, #tpu.memory_space<vmem>>
        %dma_wait3A_130 = tpu.memref_slice %arg8[%mul3A_124] : memref<10000xi32, #tpu.memory_space<vmem>> -> memref<1000xi32, #tpu.memory_space<vmem>>
        %dma_wait3A_131 = arith.constant 0 : i32
        %dma_wait3A_132 = arith.constant 0 : i32
        %dma_wait3A_133 = tpu.memref_slice %arg10[%dma_wait3A_131, %dma_wait3A_132] : memref<10000x8xf32, #tpu.memory_space<vmem_shared>> -> memref<10000x8xf32, #tpu.memory_space<vmem_shared>>
        tpu.wait_indirect_dma semaphore(%arg13 : memref<!tpu.dma_semaphore, #tpu.memory_space<semaphore_mem>>) src(%dma_wait3A_129 : memref<1000x8xf32, #tpu.memory_space<vmem>>) dst(%dma_wait3A_133 : memref<10000x8xf32, #tpu.memory_space<vmem_shared>>)
        %mul3A_134 = arith.constant 1000 : i32
        %mul3A_135 = arith.muli %add3A_84, %mul3A_134 : i32
        %dma_start3A_136 = arith.constant 0 : i32
        %dma_start3A_137 = arith.constant 0 : i32
        %dma_start3A_138 = arith.constant 0 : i32
        %dma_start3A_139 = tpu.memref_slice %arg9[%dma_start3A_136, %dma_start3A_137, %dma_start3A_138] : memref<2x1000x8xf32, #tpu.memory_space<vmem>> -> memref<1x1000x8xf32, #tpu.memory_space<vmem>>
        %dma_start3A_140 = tpu.memref_squeeze %dma_start3A_139 : memref<1x1000x8xf32, #tpu.memory_space<vmem>> -> memref<1000x8xf32, #tpu.memory_space<vmem>>
        %dma_start3A_141 = tpu.memref_slice %arg7[%mul3A_135] : memref<10000xi32, #tpu.memory_space<vmem>> -> memref<1000xi32, #tpu.memory_space<vmem>>
        %dma_start3A_142 = arith.constant 0 : i32
        %dma_start3A_143 = arith.constant 0 : i32
        %dma_start3A_144 = tpu.memref_slice %arg2[%dma_start3A_142, %dma_start3A_143] : memref<10000x8xf32, #tpu.memory_space<hbm>> -> memref<10000x8xf32, #tpu.memory_space<hbm>>
        tpu.enqueue_indirect_dma source(%dma_start3A_144 : memref<10000x8xf32, #tpu.memory_space<hbm>>) target(%dma_start3A_140 : memref<1000x8xf32, #tpu.memory_space<vmem>>) offsets(%dma_start3A_141 : memref<1000xi32, #tpu.memory_space<vmem>>) semaphore(%arg11 : memref<!tpu.dma_semaphore, #tpu.memory_space<semaphore_mem>>)
      } else {
      }
      %mul3A_90 = arith.constant 2 : i32
      %mul3A_91 = arith.muli %mul3A_90, %scan3A_56 : i32
      %add3A_92 = arith.constant 1 : i32
      %add3A_93 = arith.addi %mul3A_91, %add3A_92 : i32
      %mul3A_94 = arith.constant 1000 : i32
      %mul3A_95 = arith.muli %add3A_93, %mul3A_94 : i32
      %dma_wait3A_96 = arith.constant 1 : i32
      %dma_wait3A_97 = arith.constant 0 : i32
      %dma_wait3A_98 = arith.constant 0 : i32
      %dma_wait3A_99 = tpu.memref_slice %arg9[%dma_wait3A_96, %dma_wait3A_97, %dma_wait3A_98] : memref<2x1000x8xf32, #tpu.memory_space<vmem>> -> memref<1x1000x8xf32, #tpu.memory_space<vmem>>
      %dma_wait3A_100 = tpu.memref_squeeze %dma_wait3A_99 : memref<1x1000x8xf32, #tpu.memory_space<vmem>> -> memref<1000x8xf32, #tpu.memory_space<vmem>>
      %dma_wait3A_101 = tpu.memref_slice %arg7[%mul3A_95] : memref<10000xi32, #tpu.memory_space<vmem>> -> memref<1000xi32, #tpu.memory_space<vmem>>
      %dma_wait3A_102 = arith.constant 0 : i32
      %dma_wait3A_103 = arith.constant 0 : i32
      %dma_wait3A_104 = tpu.memref_slice %arg2[%dma_wait3A_102, %dma_wait3A_103] : memref<10000x8xf32, #tpu.memory_space<hbm>> -> memref<10000x8xf32, #tpu.memory_space<hbm>>
      tpu.wait_indirect_dma semaphore(%arg12 : memref<!tpu.dma_semaphore, #tpu.memory_space<semaphore_mem>>) src(%dma_wait3A_104 : memref<10000x8xf32, #tpu.memory_space<hbm>>) dst(%dma_wait3A_100 : memref<1000x8xf32, #tpu.memory_space<vmem>>)
      %mul3A_105 = arith.constant 1000 : i32
      %mul3A_106 = arith.muli %add3A_93, %mul3A_105 : i32
      %dma_start3A_107 = arith.constant 1 : i32
      %dma_start3A_108 = arith.constant 0 : i32
      %dma_start3A_109 = arith.constant 0 : i32
      %dma_start3A_110 = tpu.memref_slice %arg9[%dma_start3A_107, %dma_start3A_108, %dma_start3A_109] : memref<2x1000x8xf32, #tpu.memory_space<vmem>> -> memref<1x1000x8xf32, #tpu.memory_space<vmem>>
      %dma_start3A_111 = tpu.memref_squeeze %dma_start3A_110 : memref<1x1000x8xf32, #tpu.memory_space<vmem>> -> memref<1000x8xf32, #tpu.memory_space<vmem>>
      %dma_start3A_112 = tpu.memref_slice %arg8[%mul3A_106] : memref<10000xi32, #tpu.memory_space<vmem>> -> memref<1000xi32, #tpu.memory_space<vmem>>
      %dma_start3A_113 = arith.constant 0 : i32
      %dma_start3A_114 = arith.constant 0 : i32
      %dma_start3A_115 = tpu.memref_slice %arg10[%dma_start3A_113, %dma_start3A_114] : memref<10000x8xf32, #tpu.memory_space<vmem_shared>> -> memref<10000x8xf32, #tpu.memory_space<vmem_shared>>
      tpu.enqueue_indirect_dma source(%dma_start3A_111 : memref<1000x8xf32, #tpu.memory_space<vmem>>) target(%dma_start3A_115 : memref<10000x8xf32, #tpu.memory_space<vmem_shared>>) offsets(%dma_start3A_112 : memref<1000xi32, #tpu.memory_space<vmem>>) semaphore(%arg14 : memref<!tpu.dma_semaphore, #tpu.memory_space<semaphore_mem>>) {add = true}
      %add3A_116 = arith.constant 2 : i32
      %add3A_117 = arith.addi %add3A_93, %add3A_116 : i32
      %lt3A_118 = arith.constant 10 : i32
      %lt3A_119 = arith.cmpi slt, %add3A_117, %lt3A_118 : i32
      %convert_element_type3A_120 = arith.extui %lt3A_119 : i1 to i32
      %cond3A_121 = arith.constant 0 : i32
      %cond3A_122 = arith.cmpi ne, %convert_element_type3A_120, %cond3A_121 : i32
      scf.if %cond3A_122 {
        %mul3A_123 = arith.constant 1000 : i32
        %mul3A_124 = arith.muli %add3A_93, %mul3A_123 : i32
        %dma_wait3A_125 = arith.constant 1 : i32
        %dma_wait3A_126 = arith.constant 0 : i32
        %dma_wait3A_127 = arith.constant 0 : i32
        %dma_wait3A_128 = tpu.memref_slice %arg9[%dma_wait3A_125, %dma_wait3A_126, %dma_wait3A_127] : memref<2x1000x8xf32, #tpu.memory_space<vmem>> -> memref<1x1000x8xf32, #tpu.memory_space<vmem>>
        %dma_wait3A_129 = tpu.memref_squeeze %dma_wait3A_128 : memref<1x1000x8xf32, #tpu.memory_space<vmem>> -> memref<1000x8xf32, #tpu.memory_space<vmem>>
        %dma_wait3A_130 = tpu.memref_slice %arg8[%mul3A_124] : memref<10000xi32, #tpu.memory_space<vmem>> -> memref<1000xi32, #tpu.memory_space<vmem>>
        %dma_wait3A_131 = arith.constant 0 : i32
        %dma_wait3A_132 = arith.constant 0 : i32
        %dma_wait3A_133 = tpu.memref_slice %arg10[%dma_wait3A_131, %dma_wait3A_132] : memref<10000x8xf32, #tpu.memory_space<vmem_shared>> -> memref<10000x8xf32, #tpu.memory_space<vmem_shared>>
        tpu.wait_indirect_dma semaphore(%arg14 : memref<!tpu.dma_semaphore, #tpu.memory_space<semaphore_mem>>) src(%dma_wait3A_129 : memref<1000x8xf32, #tpu.memory_space<vmem>>) dst(%dma_wait3A_133 : memref<10000x8xf32, #tpu.memory_space<vmem_shared>>)
        %mul3A_134 = arith.constant 1000 : i32
        %mul3A_135 = arith.muli %add3A_117, %mul3A_134 : i32
        %dma_start3A_136 = arith.constant 1 : i32
        %dma_start3A_137 = arith.constant 0 : i32
        %dma_start3A_138 = arith.constant 0 : i32
        %dma_start3A_139 = tpu.memref_slice %arg9[%dma_start3A_136, %dma_start3A_137, %dma_start3A_138] : memref<2x1000x8xf32, #tpu.memory_space<vmem>> -> memref<1x1000x8xf32, #tpu.memory_space<vmem>>
        %dma_start3A_140 = tpu.memref_squeeze %dma_start3A_139 : memref<1x1000x8xf32, #tpu.memory_space<vmem>> -> memref<1000x8xf32, #tpu.memory_space<vmem>>
        %dma_start3A_141 = tpu.memref_slice %arg7[%mul3A_135] : memref<10000xi32, #tpu.memory_space<vmem>> -> memref<1000xi32, #tpu.memory_space<vmem>>
        %dma_start3A_142 = arith.constant 0 : i32
        %dma_start3A_143 = arith.constant 0 : i32
        %dma_start3A_144 = tpu.memref_slice %arg2[%dma_start3A_142, %dma_start3A_143] : memref<10000x8xf32, #tpu.memory_space<hbm>> -> memref<10000x8xf32, #tpu.memory_space<hbm>>
        tpu.enqueue_indirect_dma source(%dma_start3A_144 : memref<10000x8xf32, #tpu.memory_space<hbm>>) target(%dma_start3A_140 : memref<1000x8xf32, #tpu.memory_space<vmem>>) offsets(%dma_start3A_141 : memref<1000xi32, #tpu.memory_space<vmem>>) semaphore(%arg12 : memref<!tpu.dma_semaphore, #tpu.memory_space<semaphore_mem>>)
      } else {
      }
    }
    %scan3A_30 = arith.constant 5 : i32
    %dma_wait3A = arith.constant 0 : i32
    %dma_wait3A_31 = arith.constant 0 : i32
    %dma_wait3A_32 = arith.constant 0 : i32
    %dma_wait3A_33 = tpu.memref_slice %arg9[%dma_wait3A, %dma_wait3A_31, %dma_wait3A_32] : memref<2x1000x8xf32, #tpu.memory_space<vmem>> -> memref<1x1000x8xf32, #tpu.memory_space<vmem>>
    %dma_wait3A_34 = tpu.memref_squeeze %dma_wait3A_33 : memref<1x1000x8xf32, #tpu.memory_space<vmem>> -> memref<1000x8xf32, #tpu.memory_space<vmem>>
    %dma_wait3A_35 = arith.constant 8000 : i32
    %dma_wait3A_36 = tpu.memref_slice %arg8[%dma_wait3A_35] : memref<10000xi32, #tpu.memory_space<vmem>> -> memref<1000xi32, #tpu.memory_space<vmem>>
    %dma_wait3A_37 = arith.constant 0 : i32
    %dma_wait3A_38 = arith.constant 0 : i32
    %dma_wait3A_39 = tpu.memref_slice %arg10[%dma_wait3A_37, %dma_wait3A_38] : memref<10000x8xf32, #tpu.memory_space<vmem_shared>> -> memref<10000x8xf32, #tpu.memory_space<vmem_shared>>
    tpu.wait_indirect_dma semaphore(%arg13 : memref<!tpu.dma_semaphore, #tpu.memory_space<semaphore_mem>>) src(%dma_wait3A_34 : memref<1000x8xf32, #tpu.memory_space<vmem>>) dst(%dma_wait3A_39 : memref<10000x8xf32, #tpu.memory_space<vmem_shared>>)
    %dma_wait3A_40 = arith.constant 1 : i32
    %dma_wait3A_41 = arith.constant 0 : i32
    %dma_wait3A_42 = arith.constant 0 : i32
    %dma_wait3A_43 = tpu.memref_slice %arg9[%dma_wait3A_40, %dma_wait3A_41, %dma_wait3A_42] : memref<2x1000x8xf32, #tpu.memory_space<vmem>> -> memref<1x1000x8xf32, #tpu.memory_space<vmem>>
    %dma_wait3A_44 = tpu.memref_squeeze %dma_wait3A_43 : memref<1x1000x8xf32, #tpu.memory_space<vmem>> -> memref<1000x8xf32, #tpu.memory_space<vmem>>
    %dma_wait3A_45 = arith.constant 9000 : i32
    %dma_wait3A_46 = tpu.memref_slice %arg8[%dma_wait3A_45] : memref<10000xi32, #tpu.memory_space<vmem>> -> memref<1000xi32, #tpu.memory_space<vmem>>
    %dma_wait3A_47 = arith.constant 0 : i32
    %dma_wait3A_48 = arith.constant 0 : i32
    %dma_wait3A_49 = tpu.memref_slice %arg10[%dma_wait3A_47, %dma_wait3A_48] : memref<10000x8xf32, #tpu.memory_space<vmem_shared>> -> memref<10000x8xf32, #tpu.memory_space<vmem_shared>>
    tpu.wait_indirect_dma semaphore(%arg14 : memref<!tpu.dma_semaphore, #tpu.memory_space<semaphore_mem>>) src(%dma_wait3A_44 : memref<1000x8xf32, #tpu.memory_space<vmem>>) dst(%dma_wait3A_49 : memref<10000x8xf32, #tpu.memory_space<vmem_shared>>)
    %barrier3A_50 = arith.constant 0 : index
    tpu.barrier barrier_id(%barrier3A_50)
    %lt3A_51 = arith.constant 10 : i32
    %lt3A_52 = arith.cmpi slt, %arg1, %lt3A_51 : i32
    %convert_element_type3A_53 = arith.extui %lt3A_52 : i1 to i32
    %cond3A_54 = arith.constant 0 : i32
    %cond3A_55 = arith.cmpi ne, %convert_element_type3A_53, %cond3A_54 : i32
    scf.if %cond3A_55 {
      %mul3A_56 = arith.constant 1000 : i32
      %mul3A_57 = arith.muli %arg1, %mul3A_56 : i32
      "tpu.region"() ({
        %run_scoped3A = tpu.sem_alloc : memref<!tpu.dma_semaphore, #tpu.memory_space<semaphore_mem>>
        %dma_start3A_58 = arith.constant 0 : i32
        %dma_start3A_59 = tpu.memref_slice %arg6[%arg0, %mul3A_57, %dma_start3A_58] : memref<2x10000x8xf32, #tpu.memory_space<hbm>> -> memref<1x1000x8xf32, #tpu.memory_space<hbm>>
        %dma_start3A_60 = tpu.memref_squeeze %dma_start3A_59 : memref<1x1000x8xf32, #tpu.memory_space<hbm>> -> memref<1000x8xf32, #tpu.memory_space<hbm>>
        %dma_start3A_61 = arith.constant 0 : i32
        %dma_start3A_62 = tpu.memref_slice %arg10[%mul3A_57, %dma_start3A_61] : memref<10000x8xf32, #tpu.memory_space<vmem_shared>> -> memref<1000x8xf32, #tpu.memory_space<vmem_shared>>
        tpu.enqueue_dma source(%dma_start3A_62 : memref<1000x8xf32, #tpu.memory_space<vmem_shared>>) target(%dma_start3A_60 : memref<1000x8xf32, #tpu.memory_space<hbm>>) target_semaphore(%run_scoped3A : memref<!tpu.dma_semaphore, #tpu.memory_space<semaphore_mem>>)
        %dma_wait3A_63 = arith.constant 0 : i32
        %dma_wait3A_64 = tpu.memref_slice %arg6[%arg0, %mul3A_57, %dma_wait3A_63] : memref<2x10000x8xf32, #tpu.memory_space<hbm>> -> memref<1x1000x8xf32, #tpu.memory_space<hbm>>
        %dma_wait3A_65 = tpu.memref_squeeze %dma_wait3A_64 : memref<1x1000x8xf32, #tpu.memory_space<hbm>> -> memref<1000x8xf32, #tpu.memory_space<hbm>>
        %dma_wait3A_66 = arith.constant 0 : i32
        %dma_wait3A_67 = tpu.memref_slice %arg10[%mul3A_57, %dma_wait3A_66] : memref<10000x8xf32, #tpu.memory_space<vmem_shared>> -> memref<1000x8xf32, #tpu.memory_space<vmem_shared>>
        tpu.wait_dma2 semaphore(%run_scoped3A : memref<!tpu.dma_semaphore, #tpu.memory_space<semaphore_mem>>) src(%dma_wait3A_67 : memref<1000x8xf32, #tpu.memory_space<vmem_shared>>) dst(%dma_wait3A_65 : memref<1000x8xf32, #tpu.memory_space<hbm>>)
        tpu.yield
      }) : () -> ()
    } else {
    }
    return
  }
}

#map = affine_map<(d0, d1) -> (0, 0)>
#map1 = affine_map<(d0, d1) -> (0)>
#map2 = affine_map<(d0, d1) -> (0, 0, 0)>
module attributes {stable_mosaic.version = 14 : i64} {
  func.func @_prop_body(%arg0: i32, %arg1: i32, %arg2: memref<10000x32xf32, #tpu.memory_space<hbm>>, %arg3: memref<320000xi32, #tpu.memory_space<hbm>>, %arg4: memref<320000xi32, #tpu.memory_space<hbm>>, %arg5: memref<10000x32xf32, #tpu.memory_space<hbm>>, %arg6: memref<2x10000x32xf32, #tpu.memory_space<hbm>>, %arg7: memref<10000xi32, #tpu.memory_space<vmem>>, %arg8: memref<10000xi32, #tpu.memory_space<vmem>>, %arg9: memref<2x1000x32xf32, #tpu.memory_space<vmem>>, %arg10: memref<10000x32xf32, #tpu.memory_space<vmem_shared>>, %arg11: memref<!tpu.dma_semaphore, #tpu.memory_space<semaphore_mem>>, %arg12: memref<!tpu.dma_semaphore, #tpu.memory_space<semaphore_mem>>, %arg13: memref<!tpu.dma_semaphore, #tpu.memory_space<semaphore_mem>>, %arg14: memref<!tpu.dma_semaphore, #tpu.memory_space<semaphore_mem>>) attributes {dimension_semantics = [#tpu.dimension_semantics<core_parallel>, #tpu.dimension_semantics<subcore_parallel>], iteration_bounds = array<i64: 2, 16>, scalar_prefetch = 0 : i64, scratch_operands = 8 : i64, tpu.core_type = #tpu.core_type<sc_vector_subcore>, window_params = [{transform_indices = #map}, {transform_indices = #map1}, {transform_indices = #map1}, {transform_indices = #map}, {transform_indices = #map2}]} {
    %mul3A = arith.constant 2 : i32
    %mul3A_0 = arith.muli %arg1, %mul3A : i32
    %add3A = arith.addi %mul3A_0, %arg0 : i32
    %lt3A = arith.constant 10 : i32
    %lt3A_1 = arith.cmpi slt, %arg1, %lt3A : i32
    %convert_element_type3A = arith.extui %lt3A_1 : i1 to i32
    %cond3A = arith.constant 0 : i32
    %cond3A_2 = arith.cmpi ne, %convert_element_type3A, %cond3A : i32
    scf.if %cond3A_2 {
      %mul3A_56 = arith.constant 1000 : i32
      %mul3A_57 = arith.muli %arg1, %mul3A_56 : i32
      "tpu.region"() ({
        %run_scoped3A = tpu.sem_alloc : memref<!tpu.dma_semaphore, #tpu.memory_space<semaphore_mem>>
        %dma_start3A_58 = arith.constant 0 : i32
        %dma_start3A_59 = tpu.memref_slice %arg10[%mul3A_57, %dma_start3A_58] : memref<10000x32xf32, #tpu.memory_space<vmem_shared>> -> memref<1000x32xf32, #tpu.memory_space<vmem_shared>>
        %dma_start3A_60 = arith.constant 0 : i32
        %dma_start3A_61 = tpu.memref_slice %arg5[%mul3A_57, %dma_start3A_60] : memref<10000x32xf32, #tpu.memory_space<hbm>> -> memref<1000x32xf32, #tpu.memory_space<hbm>>
        tpu.enqueue_dma source(%dma_start3A_61 : memref<1000x32xf32, #tpu.memory_space<hbm>>) target(%dma_start3A_59 : memref<1000x32xf32, #tpu.memory_space<vmem_shared>>) target_semaphore(%run_scoped3A : memref<!tpu.dma_semaphore, #tpu.memory_space<semaphore_mem>>)
        %dma_wait3A_62 = arith.constant 0 : i32
        %dma_wait3A_63 = tpu.memref_slice %arg10[%mul3A_57, %dma_wait3A_62] : memref<10000x32xf32, #tpu.memory_space<vmem_shared>> -> memref<1000x32xf32, #tpu.memory_space<vmem_shared>>
        %dma_wait3A_64 = arith.constant 0 : i32
        %dma_wait3A_65 = tpu.memref_slice %arg5[%mul3A_57, %dma_wait3A_64] : memref<10000x32xf32, #tpu.memory_space<hbm>> -> memref<1000x32xf32, #tpu.memory_space<hbm>>
        tpu.wait_dma2 semaphore(%run_scoped3A : memref<!tpu.dma_semaphore, #tpu.memory_space<semaphore_mem>>) src(%dma_wait3A_65 : memref<1000x32xf32, #tpu.memory_space<hbm>>) dst(%dma_wait3A_63 : memref<1000x32xf32, #tpu.memory_space<vmem_shared>>)
        tpu.yield
      }) : () -> ()
    } else {
    }
    %mul3A_3 = arith.constant 10000 : i32
    %mul3A_4 = arith.muli %add3A, %mul3A_3 : i32
    "tpu.region"() ({
      %run_scoped3A = tpu.sem_alloc : memref<!tpu.dma_semaphore, #tpu.memory_space<semaphore_mem>>
      %dma_start3A_56 = tpu.memref_slice %arg3[%mul3A_4] : memref<320000xi32, #tpu.memory_space<hbm>> -> memref<10000xi32, #tpu.memory_space<hbm>>
      %dma_start3A_57 = tpu.memref_slice %arg3[%mul3A_4] : memref<320000xi32, #tpu.memory_space<hbm>> -> memref<10000xi32, #tpu.memory_space<hbm>>
      tpu.enqueue_dma source(%dma_start3A_57 : memref<10000xi32, #tpu.memory_space<hbm>>) target(%arg7 : memref<10000xi32, #tpu.memory_space<vmem>>) target_semaphore(%run_scoped3A : memref<!tpu.dma_semaphore, #tpu.memory_space<semaphore_mem>>)
      %dma_wait3A_58 = tpu.memref_slice %arg3[%mul3A_4] : memref<320000xi32, #tpu.memory_space<hbm>> -> memref<10000xi32, #tpu.memory_space<hbm>>
      %dma_wait3A_59 = tpu.memref_slice %arg3[%mul3A_4] : memref<320000xi32, #tpu.memory_space<hbm>> -> memref<10000xi32, #tpu.memory_space<hbm>>
      tpu.wait_dma2 semaphore(%run_scoped3A : memref<!tpu.dma_semaphore, #tpu.memory_space<semaphore_mem>>) src(%dma_wait3A_59 : memref<10000xi32, #tpu.memory_space<hbm>>) dst(%arg7 : memref<10000xi32, #tpu.memory_space<vmem>>)
      tpu.yield
    }) : () -> ()
    %mul3A_5 = arith.constant 10000 : i32
    %mul3A_6 = arith.muli %add3A, %mul3A_5 : i32
    "tpu.region"() ({
      %run_scoped3A = tpu.sem_alloc : memref<!tpu.dma_semaphore, #tpu.memory_space<semaphore_mem>>
      %dma_start3A_56 = tpu.memref_slice %arg4[%mul3A_6] : memref<320000xi32, #tpu.memory_space<hbm>> -> memref<10000xi32, #tpu.memory_space<hbm>>
      %dma_start3A_57 = tpu.memref_slice %arg4[%mul3A_6] : memref<320000xi32, #tpu.memory_space<hbm>> -> memref<10000xi32, #tpu.memory_space<hbm>>
      tpu.enqueue_dma source(%dma_start3A_57 : memref<10000xi32, #tpu.memory_space<hbm>>) target(%arg8 : memref<10000xi32, #tpu.memory_space<vmem>>) target_semaphore(%run_scoped3A : memref<!tpu.dma_semaphore, #tpu.memory_space<semaphore_mem>>)
      %dma_wait3A_58 = tpu.memref_slice %arg4[%mul3A_6] : memref<320000xi32, #tpu.memory_space<hbm>> -> memref<10000xi32, #tpu.memory_space<hbm>>
      %dma_wait3A_59 = tpu.memref_slice %arg4[%mul3A_6] : memref<320000xi32, #tpu.memory_space<hbm>> -> memref<10000xi32, #tpu.memory_space<hbm>>
      tpu.wait_dma2 semaphore(%run_scoped3A : memref<!tpu.dma_semaphore, #tpu.memory_space<semaphore_mem>>) src(%dma_wait3A_59 : memref<10000xi32, #tpu.memory_space<hbm>>) dst(%arg8 : memref<10000xi32, #tpu.memory_space<vmem>>)
      tpu.yield
    }) : () -> ()
    %barrier3A = arith.constant 0 : index
    tpu.barrier barrier_id(%barrier3A)
    %dma_start3A = arith.constant 0 : i32
    %dma_start3A_7 = arith.constant 0 : i32
    %dma_start3A_8 = arith.constant 0 : i32
    %dma_start3A_9 = tpu.memref_slice %arg9[%dma_start3A, %dma_start3A_7, %dma_start3A_8] : memref<2x1000x32xf32, #tpu.memory_space<vmem>> -> memref<1x1000x32xf32, #tpu.memory_space<vmem>>
    %dma_start3A_10 = tpu.memref_squeeze %dma_start3A_9 : memref<1x1000x32xf32, #tpu.memory_space<vmem>> -> memref<1000x32xf32, #tpu.memory_space<vmem>>
    %dma_start3A_11 = arith.constant 0 : i32
    %dma_start3A_12 = tpu.memref_slice %arg7[%dma_start3A_11] : memref<10000xi32, #tpu.memory_space<vmem>> -> memref<1000xi32, #tpu.memory_space<vmem>>
    %dma_start3A_13 = arith.constant 0 : i32
    %dma_start3A_14 = arith.constant 0 : i32
    %dma_start3A_15 = tpu.memref_slice %arg2[%dma_start3A_13, %dma_start3A_14] : memref<10000x32xf32, #tpu.memory_space<hbm>> -> memref<10000x32xf32, #tpu.memory_space<hbm>>
    tpu.enqueue_indirect_dma source(%dma_start3A_15 : memref<10000x32xf32, #tpu.memory_space<hbm>>) target(%dma_start3A_10 : memref<1000x32xf32, #tpu.memory_space<vmem>>) offsets(%dma_start3A_12 : memref<1000xi32, #tpu.memory_space<vmem>>) semaphore(%arg11 : memref<!tpu.dma_semaphore, #tpu.memory_space<semaphore_mem>>)
    %dma_start3A_16 = arith.constant 1 : i32
    %dma_start3A_17 = arith.constant 0 : i32
    %dma_start3A_18 = arith.constant 0 : i32
    %dma_start3A_19 = tpu.memref_slice %arg9[%dma_start3A_16, %dma_start3A_17, %dma_start3A_18] : memref<2x1000x32xf32, #tpu.memory_space<vmem>> -> memref<1x1000x32xf32, #tpu.memory_space<vmem>>
    %dma_start3A_20 = tpu.memref_squeeze %dma_start3A_19 : memref<1x1000x32xf32, #tpu.memory_space<vmem>> -> memref<1000x32xf32, #tpu.memory_space<vmem>>
    %dma_start3A_21 = arith.constant 1000 : i32
    %dma_start3A_22 = tpu.memref_slice %arg7[%dma_start3A_21] : memref<10000xi32, #tpu.memory_space<vmem>> -> memref<1000xi32, #tpu.memory_space<vmem>>
    %dma_start3A_23 = arith.constant 0 : i32
    %dma_start3A_24 = arith.constant 0 : i32
    %dma_start3A_25 = tpu.memref_slice %arg2[%dma_start3A_23, %dma_start3A_24] : memref<10000x32xf32, #tpu.memory_space<hbm>> -> memref<10000x32xf32, #tpu.memory_space<hbm>>
    tpu.enqueue_indirect_dma source(%dma_start3A_25 : memref<10000x32xf32, #tpu.memory_space<hbm>>) target(%dma_start3A_20 : memref<1000x32xf32, #tpu.memory_space<vmem>>) offsets(%dma_start3A_22 : memref<1000xi32, #tpu.memory_space<vmem>>) semaphore(%arg12 : memref<!tpu.dma_semaphore, #tpu.memory_space<semaphore_mem>>)
    %scan3A = arith.constant 0 : i32
    %scan3A_26 = arith.constant 0 : i32
    %scan3A_27 = arith.constant 5 : i32
    %scan3A_28 = arith.addi %scan3A_26, %scan3A_27 : i32
    %scan3A_29 = arith.constant 1 : i32
    scf.for %scan3A_56 = %scan3A_26 to %scan3A_28 step %scan3A_29  : i32 {
      %mul3A_57 = arith.constant 2 : i32
      %mul3A_58 = arith.muli %mul3A_57, %scan3A_56 : i32
      %add3A_59 = arith.constant 0 : i32
      %add3A_60 = arith.addi %mul3A_58, %add3A_59 : i32
      %mul3A_61 = arith.constant 1000 : i32
      %mul3A_62 = arith.muli %add3A_60, %mul3A_61 : i32
      %dma_wait3A_63 = arith.constant 0 : i32
      %dma_wait3A_64 = arith.constant 0 : i32
      %dma_wait3A_65 = arith.constant 0 : i32
      %dma_wait3A_66 = tpu.memref_slice %arg9[%dma_wait3A_63, %dma_wait3A_64, %dma_wait3A_65] : memref<2x1000x32xf32, #tpu.memory_space<vmem>> -> memref<1x1000x32xf32, #tpu.memory_space<vmem>>
      %dma_wait3A_67 = tpu.memref_squeeze %dma_wait3A_66 : memref<1x1000x32xf32, #tpu.memory_space<vmem>> -> memref<1000x32xf32, #tpu.memory_space<vmem>>
      %dma_wait3A_68 = tpu.memref_slice %arg7[%mul3A_62] : memref<10000xi32, #tpu.memory_space<vmem>> -> memref<1000xi32, #tpu.memory_space<vmem>>
      %dma_wait3A_69 = arith.constant 0 : i32
      %dma_wait3A_70 = arith.constant 0 : i32
      %dma_wait3A_71 = tpu.memref_slice %arg2[%dma_wait3A_69, %dma_wait3A_70] : memref<10000x32xf32, #tpu.memory_space<hbm>> -> memref<10000x32xf32, #tpu.memory_space<hbm>>
      tpu.wait_indirect_dma semaphore(%arg11 : memref<!tpu.dma_semaphore, #tpu.memory_space<semaphore_mem>>) src(%dma_wait3A_71 : memref<10000x32xf32, #tpu.memory_space<hbm>>) dst(%dma_wait3A_67 : memref<1000x32xf32, #tpu.memory_space<vmem>>)
      %mul3A_72 = arith.constant 1000 : i32
      %mul3A_73 = arith.muli %add3A_60, %mul3A_72 : i32
      %dma_start3A_74 = arith.constant 0 : i32
      %dma_start3A_75 = arith.constant 0 : i32
      %dma_start3A_76 = arith.constant 0 : i32
      %dma_start3A_77 = tpu.memref_slice %arg9[%dma_start3A_74, %dma_start3A_75, %dma_start3A_76] : memref<2x1000x32xf32, #tpu.memory_space<vmem>> -> memref<1x1000x32xf32, #tpu.memory_space<vmem>>
      %dma_start3A_78 = tpu.memref_squeeze %dma_start3A_77 : memref<1x1000x32xf32, #tpu.memory_space<vmem>> -> memref<1000x32xf32, #tpu.memory_space<vmem>>
      %dma_start3A_79 = tpu.memref_slice %arg8[%mul3A_73] : memref<10000xi32, #tpu.memory_space<vmem>> -> memref<1000xi32, #tpu.memory_space<vmem>>
      %dma_start3A_80 = arith.constant 0 : i32
      %dma_start3A_81 = arith.constant 0 : i32
      %dma_start3A_82 = tpu.memref_slice %arg10[%dma_start3A_80, %dma_start3A_81] : memref<10000x32xf32, #tpu.memory_space<vmem_shared>> -> memref<10000x32xf32, #tpu.memory_space<vmem_shared>>
      tpu.enqueue_indirect_dma source(%dma_start3A_78 : memref<1000x32xf32, #tpu.memory_space<vmem>>) target(%dma_start3A_82 : memref<10000x32xf32, #tpu.memory_space<vmem_shared>>) offsets(%dma_start3A_79 : memref<1000xi32, #tpu.memory_space<vmem>>) semaphore(%arg13 : memref<!tpu.dma_semaphore, #tpu.memory_space<semaphore_mem>>) {add = true}
      %add3A_83 = arith.constant 2 : i32
      %add3A_84 = arith.addi %add3A_60, %add3A_83 : i32
      %lt3A_85 = arith.constant 10 : i32
      %lt3A_86 = arith.cmpi slt, %add3A_84, %lt3A_85 : i32
      %convert_element_type3A_87 = arith.extui %lt3A_86 : i1 to i32
      %cond3A_88 = arith.constant 0 : i32
      %cond3A_89 = arith.cmpi ne, %convert_element_type3A_87, %cond3A_88 : i32
      scf.if %cond3A_89 {
        %mul3A_123 = arith.constant 1000 : i32
        %mul3A_124 = arith.muli %add3A_60, %mul3A_123 : i32
        %dma_wait3A_125 = arith.constant 0 : i32
        %dma_wait3A_126 = arith.constant 0 : i32
        %dma_wait3A_127 = arith.constant 0 : i32
        %dma_wait3A_128 = tpu.memref_slice %arg9[%dma_wait3A_125, %dma_wait3A_126, %dma_wait3A_127] : memref<2x1000x32xf32, #tpu.memory_space<vmem>> -> memref<1x1000x32xf32, #tpu.memory_space<vmem>>
        %dma_wait3A_129 = tpu.memref_squeeze %dma_wait3A_128 : memref<1x1000x32xf32, #tpu.memory_space<vmem>> -> memref<1000x32xf32, #tpu.memory_space<vmem>>
        %dma_wait3A_130 = tpu.memref_slice %arg8[%mul3A_124] : memref<10000xi32, #tpu.memory_space<vmem>> -> memref<1000xi32, #tpu.memory_space<vmem>>
        %dma_wait3A_131 = arith.constant 0 : i32
        %dma_wait3A_132 = arith.constant 0 : i32
        %dma_wait3A_133 = tpu.memref_slice %arg10[%dma_wait3A_131, %dma_wait3A_132] : memref<10000x32xf32, #tpu.memory_space<vmem_shared>> -> memref<10000x32xf32, #tpu.memory_space<vmem_shared>>
        tpu.wait_indirect_dma semaphore(%arg13 : memref<!tpu.dma_semaphore, #tpu.memory_space<semaphore_mem>>) src(%dma_wait3A_129 : memref<1000x32xf32, #tpu.memory_space<vmem>>) dst(%dma_wait3A_133 : memref<10000x32xf32, #tpu.memory_space<vmem_shared>>)
        %mul3A_134 = arith.constant 1000 : i32
        %mul3A_135 = arith.muli %add3A_84, %mul3A_134 : i32
        %dma_start3A_136 = arith.constant 0 : i32
        %dma_start3A_137 = arith.constant 0 : i32
        %dma_start3A_138 = arith.constant 0 : i32
        %dma_start3A_139 = tpu.memref_slice %arg9[%dma_start3A_136, %dma_start3A_137, %dma_start3A_138] : memref<2x1000x32xf32, #tpu.memory_space<vmem>> -> memref<1x1000x32xf32, #tpu.memory_space<vmem>>
        %dma_start3A_140 = tpu.memref_squeeze %dma_start3A_139 : memref<1x1000x32xf32, #tpu.memory_space<vmem>> -> memref<1000x32xf32, #tpu.memory_space<vmem>>
        %dma_start3A_141 = tpu.memref_slice %arg7[%mul3A_135] : memref<10000xi32, #tpu.memory_space<vmem>> -> memref<1000xi32, #tpu.memory_space<vmem>>
        %dma_start3A_142 = arith.constant 0 : i32
        %dma_start3A_143 = arith.constant 0 : i32
        %dma_start3A_144 = tpu.memref_slice %arg2[%dma_start3A_142, %dma_start3A_143] : memref<10000x32xf32, #tpu.memory_space<hbm>> -> memref<10000x32xf32, #tpu.memory_space<hbm>>
        tpu.enqueue_indirect_dma source(%dma_start3A_144 : memref<10000x32xf32, #tpu.memory_space<hbm>>) target(%dma_start3A_140 : memref<1000x32xf32, #tpu.memory_space<vmem>>) offsets(%dma_start3A_141 : memref<1000xi32, #tpu.memory_space<vmem>>) semaphore(%arg11 : memref<!tpu.dma_semaphore, #tpu.memory_space<semaphore_mem>>)
      } else {
      }
      %mul3A_90 = arith.constant 2 : i32
      %mul3A_91 = arith.muli %mul3A_90, %scan3A_56 : i32
      %add3A_92 = arith.constant 1 : i32
      %add3A_93 = arith.addi %mul3A_91, %add3A_92 : i32
      %mul3A_94 = arith.constant 1000 : i32
      %mul3A_95 = arith.muli %add3A_93, %mul3A_94 : i32
      %dma_wait3A_96 = arith.constant 1 : i32
      %dma_wait3A_97 = arith.constant 0 : i32
      %dma_wait3A_98 = arith.constant 0 : i32
      %dma_wait3A_99 = tpu.memref_slice %arg9[%dma_wait3A_96, %dma_wait3A_97, %dma_wait3A_98] : memref<2x1000x32xf32, #tpu.memory_space<vmem>> -> memref<1x1000x32xf32, #tpu.memory_space<vmem>>
      %dma_wait3A_100 = tpu.memref_squeeze %dma_wait3A_99 : memref<1x1000x32xf32, #tpu.memory_space<vmem>> -> memref<1000x32xf32, #tpu.memory_space<vmem>>
      %dma_wait3A_101 = tpu.memref_slice %arg7[%mul3A_95] : memref<10000xi32, #tpu.memory_space<vmem>> -> memref<1000xi32, #tpu.memory_space<vmem>>
      %dma_wait3A_102 = arith.constant 0 : i32
      %dma_wait3A_103 = arith.constant 0 : i32
      %dma_wait3A_104 = tpu.memref_slice %arg2[%dma_wait3A_102, %dma_wait3A_103] : memref<10000x32xf32, #tpu.memory_space<hbm>> -> memref<10000x32xf32, #tpu.memory_space<hbm>>
      tpu.wait_indirect_dma semaphore(%arg12 : memref<!tpu.dma_semaphore, #tpu.memory_space<semaphore_mem>>) src(%dma_wait3A_104 : memref<10000x32xf32, #tpu.memory_space<hbm>>) dst(%dma_wait3A_100 : memref<1000x32xf32, #tpu.memory_space<vmem>>)
      %mul3A_105 = arith.constant 1000 : i32
      %mul3A_106 = arith.muli %add3A_93, %mul3A_105 : i32
      %dma_start3A_107 = arith.constant 1 : i32
      %dma_start3A_108 = arith.constant 0 : i32
      %dma_start3A_109 = arith.constant 0 : i32
      %dma_start3A_110 = tpu.memref_slice %arg9[%dma_start3A_107, %dma_start3A_108, %dma_start3A_109] : memref<2x1000x32xf32, #tpu.memory_space<vmem>> -> memref<1x1000x32xf32, #tpu.memory_space<vmem>>
      %dma_start3A_111 = tpu.memref_squeeze %dma_start3A_110 : memref<1x1000x32xf32, #tpu.memory_space<vmem>> -> memref<1000x32xf32, #tpu.memory_space<vmem>>
      %dma_start3A_112 = tpu.memref_slice %arg8[%mul3A_106] : memref<10000xi32, #tpu.memory_space<vmem>> -> memref<1000xi32, #tpu.memory_space<vmem>>
      %dma_start3A_113 = arith.constant 0 : i32
      %dma_start3A_114 = arith.constant 0 : i32
      %dma_start3A_115 = tpu.memref_slice %arg10[%dma_start3A_113, %dma_start3A_114] : memref<10000x32xf32, #tpu.memory_space<vmem_shared>> -> memref<10000x32xf32, #tpu.memory_space<vmem_shared>>
      tpu.enqueue_indirect_dma source(%dma_start3A_111 : memref<1000x32xf32, #tpu.memory_space<vmem>>) target(%dma_start3A_115 : memref<10000x32xf32, #tpu.memory_space<vmem_shared>>) offsets(%dma_start3A_112 : memref<1000xi32, #tpu.memory_space<vmem>>) semaphore(%arg14 : memref<!tpu.dma_semaphore, #tpu.memory_space<semaphore_mem>>) {add = true}
      %add3A_116 = arith.constant 2 : i32
      %add3A_117 = arith.addi %add3A_93, %add3A_116 : i32
      %lt3A_118 = arith.constant 10 : i32
      %lt3A_119 = arith.cmpi slt, %add3A_117, %lt3A_118 : i32
      %convert_element_type3A_120 = arith.extui %lt3A_119 : i1 to i32
      %cond3A_121 = arith.constant 0 : i32
      %cond3A_122 = arith.cmpi ne, %convert_element_type3A_120, %cond3A_121 : i32
      scf.if %cond3A_122 {
        %mul3A_123 = arith.constant 1000 : i32
        %mul3A_124 = arith.muli %add3A_93, %mul3A_123 : i32
        %dma_wait3A_125 = arith.constant 1 : i32
        %dma_wait3A_126 = arith.constant 0 : i32
        %dma_wait3A_127 = arith.constant 0 : i32
        %dma_wait3A_128 = tpu.memref_slice %arg9[%dma_wait3A_125, %dma_wait3A_126, %dma_wait3A_127] : memref<2x1000x32xf32, #tpu.memory_space<vmem>> -> memref<1x1000x32xf32, #tpu.memory_space<vmem>>
        %dma_wait3A_129 = tpu.memref_squeeze %dma_wait3A_128 : memref<1x1000x32xf32, #tpu.memory_space<vmem>> -> memref<1000x32xf32, #tpu.memory_space<vmem>>
        %dma_wait3A_130 = tpu.memref_slice %arg8[%mul3A_124] : memref<10000xi32, #tpu.memory_space<vmem>> -> memref<1000xi32, #tpu.memory_space<vmem>>
        %dma_wait3A_131 = arith.constant 0 : i32
        %dma_wait3A_132 = arith.constant 0 : i32
        %dma_wait3A_133 = tpu.memref_slice %arg10[%dma_wait3A_131, %dma_wait3A_132] : memref<10000x32xf32, #tpu.memory_space<vmem_shared>> -> memref<10000x32xf32, #tpu.memory_space<vmem_shared>>
        tpu.wait_indirect_dma semaphore(%arg14 : memref<!tpu.dma_semaphore, #tpu.memory_space<semaphore_mem>>) src(%dma_wait3A_129 : memref<1000x32xf32, #tpu.memory_space<vmem>>) dst(%dma_wait3A_133 : memref<10000x32xf32, #tpu.memory_space<vmem_shared>>)
        %mul3A_134 = arith.constant 1000 : i32
        %mul3A_135 = arith.muli %add3A_117, %mul3A_134 : i32
        %dma_start3A_136 = arith.constant 1 : i32
        %dma_start3A_137 = arith.constant 0 : i32
        %dma_start3A_138 = arith.constant 0 : i32
        %dma_start3A_139 = tpu.memref_slice %arg9[%dma_start3A_136, %dma_start3A_137, %dma_start3A_138] : memref<2x1000x32xf32, #tpu.memory_space<vmem>> -> memref<1x1000x32xf32, #tpu.memory_space<vmem>>
        %dma_start3A_140 = tpu.memref_squeeze %dma_start3A_139 : memref<1x1000x32xf32, #tpu.memory_space<vmem>> -> memref<1000x32xf32, #tpu.memory_space<vmem>>
        %dma_start3A_141 = tpu.memref_slice %arg7[%mul3A_135] : memref<10000xi32, #tpu.memory_space<vmem>> -> memref<1000xi32, #tpu.memory_space<vmem>>
        %dma_start3A_142 = arith.constant 0 : i32
        %dma_start3A_143 = arith.constant 0 : i32
        %dma_start3A_144 = tpu.memref_slice %arg2[%dma_start3A_142, %dma_start3A_143] : memref<10000x32xf32, #tpu.memory_space<hbm>> -> memref<10000x32xf32, #tpu.memory_space<hbm>>
        tpu.enqueue_indirect_dma source(%dma_start3A_144 : memref<10000x32xf32, #tpu.memory_space<hbm>>) target(%dma_start3A_140 : memref<1000x32xf32, #tpu.memory_space<vmem>>) offsets(%dma_start3A_141 : memref<1000xi32, #tpu.memory_space<vmem>>) semaphore(%arg12 : memref<!tpu.dma_semaphore, #tpu.memory_space<semaphore_mem>>)
      } else {
      }
    }
    %scan3A_30 = arith.constant 5 : i32
    %dma_wait3A = arith.constant 0 : i32
    %dma_wait3A_31 = arith.constant 0 : i32
    %dma_wait3A_32 = arith.constant 0 : i32
    %dma_wait3A_33 = tpu.memref_slice %arg9[%dma_wait3A, %dma_wait3A_31, %dma_wait3A_32] : memref<2x1000x32xf32, #tpu.memory_space<vmem>> -> memref<1x1000x32xf32, #tpu.memory_space<vmem>>
    %dma_wait3A_34 = tpu.memref_squeeze %dma_wait3A_33 : memref<1x1000x32xf32, #tpu.memory_space<vmem>> -> memref<1000x32xf32, #tpu.memory_space<vmem>>
    %dma_wait3A_35 = arith.constant 8000 : i32
    %dma_wait3A_36 = tpu.memref_slice %arg8[%dma_wait3A_35] : memref<10000xi32, #tpu.memory_space<vmem>> -> memref<1000xi32, #tpu.memory_space<vmem>>
    %dma_wait3A_37 = arith.constant 0 : i32
    %dma_wait3A_38 = arith.constant 0 : i32
    %dma_wait3A_39 = tpu.memref_slice %arg10[%dma_wait3A_37, %dma_wait3A_38] : memref<10000x32xf32, #tpu.memory_space<vmem_shared>> -> memref<10000x32xf32, #tpu.memory_space<vmem_shared>>
    tpu.wait_indirect_dma semaphore(%arg13 : memref<!tpu.dma_semaphore, #tpu.memory_space<semaphore_mem>>) src(%dma_wait3A_34 : memref<1000x32xf32, #tpu.memory_space<vmem>>) dst(%dma_wait3A_39 : memref<10000x32xf32, #tpu.memory_space<vmem_shared>>)
    %dma_wait3A_40 = arith.constant 1 : i32
    %dma_wait3A_41 = arith.constant 0 : i32
    %dma_wait3A_42 = arith.constant 0 : i32
    %dma_wait3A_43 = tpu.memref_slice %arg9[%dma_wait3A_40, %dma_wait3A_41, %dma_wait3A_42] : memref<2x1000x32xf32, #tpu.memory_space<vmem>> -> memref<1x1000x32xf32, #tpu.memory_space<vmem>>
    %dma_wait3A_44 = tpu.memref_squeeze %dma_wait3A_43 : memref<1x1000x32xf32, #tpu.memory_space<vmem>> -> memref<1000x32xf32, #tpu.memory_space<vmem>>
    %dma_wait3A_45 = arith.constant 9000 : i32
    %dma_wait3A_46 = tpu.memref_slice %arg8[%dma_wait3A_45] : memref<10000xi32, #tpu.memory_space<vmem>> -> memref<1000xi32, #tpu.memory_space<vmem>>
    %dma_wait3A_47 = arith.constant 0 : i32
    %dma_wait3A_48 = arith.constant 0 : i32
    %dma_wait3A_49 = tpu.memref_slice %arg10[%dma_wait3A_47, %dma_wait3A_48] : memref<10000x32xf32, #tpu.memory_space<vmem_shared>> -> memref<10000x32xf32, #tpu.memory_space<vmem_shared>>
    tpu.wait_indirect_dma semaphore(%arg14 : memref<!tpu.dma_semaphore, #tpu.memory_space<semaphore_mem>>) src(%dma_wait3A_44 : memref<1000x32xf32, #tpu.memory_space<vmem>>) dst(%dma_wait3A_49 : memref<10000x32xf32, #tpu.memory_space<vmem_shared>>)
    %barrier3A_50 = arith.constant 0 : index
    tpu.barrier barrier_id(%barrier3A_50)
    %lt3A_51 = arith.constant 10 : i32
    %lt3A_52 = arith.cmpi slt, %arg1, %lt3A_51 : i32
    %convert_element_type3A_53 = arith.extui %lt3A_52 : i1 to i32
    %cond3A_54 = arith.constant 0 : i32
    %cond3A_55 = arith.cmpi ne, %convert_element_type3A_53, %cond3A_54 : i32
    scf.if %cond3A_55 {
      %mul3A_56 = arith.constant 1000 : i32
      %mul3A_57 = arith.muli %arg1, %mul3A_56 : i32
      "tpu.region"() ({
        %run_scoped3A = tpu.sem_alloc : memref<!tpu.dma_semaphore, #tpu.memory_space<semaphore_mem>>
        %dma_start3A_58 = arith.constant 0 : i32
        %dma_start3A_59 = tpu.memref_slice %arg6[%arg0, %mul3A_57, %dma_start3A_58] : memref<2x10000x32xf32, #tpu.memory_space<hbm>> -> memref<1x1000x32xf32, #tpu.memory_space<hbm>>
        %dma_start3A_60 = tpu.memref_squeeze %dma_start3A_59 : memref<1x1000x32xf32, #tpu.memory_space<hbm>> -> memref<1000x32xf32, #tpu.memory_space<hbm>>
        %dma_start3A_61 = arith.constant 0 : i32
        %dma_start3A_62 = tpu.memref_slice %arg10[%mul3A_57, %dma_start3A_61] : memref<10000x32xf32, #tpu.memory_space<vmem_shared>> -> memref<1000x32xf32, #tpu.memory_space<vmem_shared>>
        tpu.enqueue_dma source(%dma_start3A_62 : memref<1000x32xf32, #tpu.memory_space<vmem_shared>>) target(%dma_start3A_60 : memref<1000x32xf32, #tpu.memory_space<hbm>>) target_semaphore(%run_scoped3A : memref<!tpu.dma_semaphore, #tpu.memory_space<semaphore_mem>>)
        %dma_wait3A_63 = arith.constant 0 : i32
        %dma_wait3A_64 = tpu.memref_slice %arg6[%arg0, %mul3A_57, %dma_wait3A_63] : memref<2x10000x32xf32, #tpu.memory_space<hbm>> -> memref<1x1000x32xf32, #tpu.memory_space<hbm>>
        %dma_wait3A_65 = tpu.memref_squeeze %dma_wait3A_64 : memref<1x1000x32xf32, #tpu.memory_space<hbm>> -> memref<1000x32xf32, #tpu.memory_space<hbm>>
        %dma_wait3A_66 = arith.constant 0 : i32
        %dma_wait3A_67 = tpu.memref_slice %arg10[%mul3A_57, %dma_wait3A_66] : memref<10000x32xf32, #tpu.memory_space<vmem_shared>> -> memref<1000x32xf32, #tpu.memory_space<vmem_shared>>
        tpu.wait_dma2 semaphore(%run_scoped3A : memref<!tpu.dma_semaphore, #tpu.memory_space<semaphore_mem>>) src(%dma_wait3A_67 : memref<1000x32xf32, #tpu.memory_space<vmem_shared>>) dst(%dma_wait3A_65 : memref<1000x32xf32, #tpu.memory_space<hbm>>)
        tpu.yield
      }) : () -> ()
    } else {
    }
    return
  }
}

module attributes {stable_mosaic.version = 14 : i64} {
  func.func @_tcb_body(%arg0: i32, %arg1: memref<1x2x1000xf32, #tpu.memory_space<vmem>>, %arg2: memref<1x2x1000xf32, #tpu.memory_space<vmem>>, %arg3: memref<1000x128xf32, #tpu.memory_space<vmem>>, %arg4: memref<128x32xf32, #tpu.memory_space<vmem>>, %arg5: memref<1000x32xf32, #tpu.memory_space<vmem>>, %arg6: memref<1x1x1000xf32, #tpu.memory_space<vmem>>, %arg7: memref<1x1x1000xf32, #tpu.memory_space<vmem>>) attributes {dimension_semantics = [#tpu.dimension_semantics<arbitrary>], iteration_bounds = array<i64: 10>, scalar_prefetch = 0 : i64, scratch_operands = 0 : i64, tpu.core_type = #tpu.core_type<tc>, window_params = [{transform_indices = @transform_0, window_bounds = array<i64: 1, 2, 1000>}, {transform_indices = @transform_1, window_bounds = array<i64: 1, 2, 1000>}, {transform_indices = @transform_2, window_bounds = array<i64: 1000, 128>}, {pipeline_mode = #tpu.pipeline_mode<synchronous>, transform_indices = @transform_3, window_bounds = array<i64: 128, 32>}, {transform_indices = @transform_4, window_bounds = array<i64: 1000, 32>}, {transform_indices = @transform_5, window_bounds = array<i64: 1, 1, 1000>}, {transform_indices = @transform_6, window_bounds = array<i64: 1, 1, 1000>}]} {
    %get3A = arith.constant 0 : index
    %get3A_0 = arith.constant 0 : index
    %get3A_1 = arith.constant 0 : index
    %get3A_2 = vector.load %arg1[%get3A, %get3A_0, %get3A_1] : memref<1x2x1000xf32, #tpu.memory_space<vmem>>, vector<1x1x1000xf32>
    %get3A_3 = vector.shape_cast %get3A_2 : vector<1x1x1000xf32> to vector<1000xf32>
    %get3A_4 = arith.constant 0 : index
    %get3A_5 = arith.constant 1 : index
    %get3A_6 = arith.constant 0 : index
    %get3A_7 = vector.load %arg1[%get3A_4, %get3A_5, %get3A_6] : memref<1x2x1000xf32, #tpu.memory_space<vmem>>, vector<1x1x1000xf32>
    %get3A_8 = vector.shape_cast %get3A_7 : vector<1x1x1000xf32> to vector<1000xf32>
    %add3A = arith.addf %get3A_3, %get3A_8 : vector<1000xf32>
    %max3A = arith.constant 1.000000e+00 : f32
    %max3A_9 = vector.broadcast %max3A : f32 to vector<1000xf32>
    %max3A_10 = arith.maximumf %add3A, %max3A_9 : vector<1000xf32>
    %rsqrt3A = math.rsqrt %max3A_10 : vector<1000xf32>
    %get3A_11 = arith.constant 0 : index
    %get3A_12 = arith.constant 0 : index
    %get3A_13 = arith.constant 0 : index
    %get3A_14 = vector.load %arg2[%get3A_11, %get3A_12, %get3A_13] : memref<1x2x1000xf32, #tpu.memory_space<vmem>>, vector<1x1x1000xf32>
    %get3A_15 = vector.shape_cast %get3A_14 : vector<1x1x1000xf32> to vector<1000xf32>
    %get3A_16 = arith.constant 0 : index
    %get3A_17 = arith.constant 1 : index
    %get3A_18 = arith.constant 0 : index
    %get3A_19 = vector.load %arg2[%get3A_16, %get3A_17, %get3A_18] : memref<1x2x1000xf32, #tpu.memory_space<vmem>>, vector<1x1x1000xf32>
    %get3A_20 = vector.shape_cast %get3A_19 : vector<1x1x1000xf32> to vector<1000xf32>
    %add3A_21 = arith.addf %get3A_15, %get3A_20 : vector<1000xf32>
    %max3A_22 = arith.constant 1.000000e+00 : f32
    %max3A_23 = vector.broadcast %max3A_22 : f32 to vector<1000xf32>
    %max3A_24 = arith.maximumf %add3A_21, %max3A_23 : vector<1000xf32>
    %rsqrt3A_25 = math.rsqrt %max3A_24 : vector<1000xf32>
    %get3A_26 = arith.constant 0 : index
    %get3A_27 = arith.constant 0 : index
    %get3A_28 = vector.load %arg3[%get3A_26, %get3A_27] : memref<1000x128xf32, #tpu.memory_space<vmem>>, vector<1000x128xf32>
    %get3A_29 = arith.constant 0 : index
    %get3A_30 = arith.constant 0 : index
    %get3A_31 = vector.load %arg4[%get3A_29, %get3A_30] : memref<128x32xf32, #tpu.memory_space<vmem>>, vector<128x32xf32>
    %dot_general3A = arith.constant dense<0.000000e+00> : vector<1000x32xf32>
    %dot_general3A_32 = tpu.matmul %get3A_28, %get3A_31, %dot_general3A {dimension_numbers = #tpu.dot_dimension_numbers<[1], [0], [0], [1], [0, 0, 1, 1], [], []>, transpose_lhs_hint = false} : vector<1000x128xf32>, vector<128x32xf32>, vector<1000x32xf32> -> vector<1000x32xf32>
    %reshape3A = vector.shape_cast %rsqrt3A : vector<1000xf32> to vector<1000x1xf32>
    %mul3A = vector.broadcast %reshape3A : vector<1000x1xf32> to vector<1000x32xf32>
    %mul3A_33 = arith.mulf %dot_general3A_32, %mul3A : vector<1000x32xf32>
    %swap3A = arith.constant 0 : index
    %swap3A_34 = arith.constant 0 : index
    %swap3A_35 = vector.load %arg5[%swap3A, %swap3A_34] : memref<1000x32xf32, #tpu.memory_space<vmem>>, vector<1000x32xf32>
    tpu.vector_store %arg5[%swap3A, %swap3A_34], %mul3A_33 {strides = array<i32>} : memref<1000x32xf32, #tpu.memory_space<vmem>>, vector<1000x32xf32>,
    %reshape3A_36 = vector.shape_cast %rsqrt3A : vector<1000xf32> to vector<1x1x1000xf32>
    %swap3A_37 = arith.constant 0 : index
    %swap3A_38 = arith.constant 0 : index
    %swap3A_39 = arith.constant 0 : index
    %swap3A_40 = vector.load %arg6[%swap3A_37, %swap3A_38, %swap3A_39] : memref<1x1x1000xf32, #tpu.memory_space<vmem>>, vector<1x1x1000xf32>
    tpu.vector_store %arg6[%swap3A_37, %swap3A_38, %swap3A_39], %reshape3A_36 {strides = array<i32>} : memref<1x1x1000xf32, #tpu.memory_space<vmem>>, vector<1x1x1000xf32>,
    %reshape3A_41 = vector.shape_cast %rsqrt3A_25 : vector<1000xf32> to vector<1x1x1000xf32>
    %swap3A_42 = arith.constant 0 : index
    %swap3A_43 = arith.constant 0 : index
    %swap3A_44 = arith.constant 0 : index
    %swap3A_45 = vector.load %arg7[%swap3A_42, %swap3A_43, %swap3A_44] : memref<1x1x1000xf32, #tpu.memory_space<vmem>>, vector<1x1x1000xf32>
    tpu.vector_store %arg7[%swap3A_42, %swap3A_43, %swap3A_44], %reshape3A_41 {strides = array<i32>} : memref<1x1x1000xf32, #tpu.memory_space<vmem>>, vector<1x1x1000xf32>,
    return
  }
  func.func @transform_0(%arg0: i32) -> (i32, i32, i32) {
    %c0_i32 = arith.constant 0 : i32
    %c0_i32_0 = arith.constant 0 : i32
    %c0_i32_1 = arith.constant 0 : i32
    return %arg0, %c0_i32, %c0_i32_0 : i32, i32, i32
  }
  func.func @transform_1(%arg0: i32) -> (i32, i32, i32) {
    %c0_i32 = arith.constant 0 : i32
    %c0_i32_0 = arith.constant 0 : i32
    %c0_i32_1 = arith.constant 0 : i32
    return %arg0, %c0_i32, %c0_i32_0 : i32, i32, i32
  }
  func.func @transform_2(%arg0: i32) -> (i32, i32) {
    %c0_i32 = arith.constant 0 : i32
    %c0_i32_0 = arith.constant 0 : i32
    return %arg0, %c0_i32 : i32, i32
  }
  func.func @transform_3(%arg0: i32) -> (i32, i32) {
    %c0_i32 = arith.constant 0 : i32
    %c0_i32_0 = arith.constant 0 : i32
    %c0_i32_1 = arith.constant 0 : i32
    return %c0_i32, %c0_i32_0 : i32, i32
  }
  func.func @transform_4(%arg0: i32) -> (i32, i32) {
    %c0_i32 = arith.constant 0 : i32
    %c0_i32_0 = arith.constant 0 : i32
    return %arg0, %c0_i32 : i32, i32
  }
  func.func @transform_5(%arg0: i32) -> (i32, i32, i32) {
    %c0_i32 = arith.constant 0 : i32
    %c0_i32_0 = arith.constant 0 : i32
    %c0_i32_1 = arith.constant 0 : i32
    return %arg0, %c0_i32, %c0_i32_0 : i32, i32, i32
  }
  func.func @transform_6(%arg0: i32) -> (i32, i32, i32) {
    %c0_i32 = arith.constant 0 : i32
    %c0_i32_0 = arith.constant 0 : i32
    %c0_i32_1 = arith.constant 0 : i32
    return %arg0, %c0_i32, %c0_i32_0 : i32, i32, i32
  }
}

module attributes {stable_mosaic.version = 14 : i64} {
  func.func @_tcd_body(%arg0: i32, %arg1: memref<2x1000x32xf32, #tpu.memory_space<vmem>>, %arg2: memref<1x1x1000xf32, #tpu.memory_space<vmem>>, %arg3: memref<1x1x1000xf32, #tpu.memory_space<vmem>>, %arg4: memref<1000x128xf32, #tpu.memory_space<vmem>>, %arg5: memref<128x32xf32, #tpu.memory_space<vmem>>, %arg6: memref<1x32xf32, #tpu.memory_space<vmem>>, %arg7: memref<16x8xf32, #tpu.memory_space<vmem>>, %arg8: memref<1000x16xf32, #tpu.memory_space<vmem>>, %arg9: memref<1000x8xf32, #tpu.memory_space<vmem>>) attributes {dimension_semantics = [#tpu.dimension_semantics<arbitrary>], iteration_bounds = array<i64: 10>, scalar_prefetch = 0 : i64, scratch_operands = 0 : i64, tpu.core_type = #tpu.core_type<tc>, window_params = [{transform_indices = @transform_0, window_bounds = array<i64: 2, 1000, 32>}, {transform_indices = @transform_1, window_bounds = array<i64: 1, 1, 1000>}, {transform_indices = @transform_2, window_bounds = array<i64: 1, 1, 1000>}, {transform_indices = @transform_3, window_bounds = array<i64: 1000, 128>}, {pipeline_mode = #tpu.pipeline_mode<synchronous>, transform_indices = @transform_4, window_bounds = array<i64: 128, 32>}, {pipeline_mode = #tpu.pipeline_mode<synchronous>, transform_indices = @transform_5, window_bounds = array<i64: 1, 32>}, {pipeline_mode = #tpu.pipeline_mode<synchronous>, transform_indices = @transform_6, window_bounds = array<i64: 16, 8>}, {transform_indices = @transform_7, window_bounds = array<i64: 1000, 16>}, {transform_indices = @transform_8, window_bounds = array<i64: 1000, 8>}]} {
    %get3A = arith.constant 0 : index
    %get3A_0 = arith.constant 0 : index
    %get3A_1 = arith.constant 0 : index
    %get3A_2 = vector.load %arg1[%get3A, %get3A_0, %get3A_1] : memref<2x1000x32xf32, #tpu.memory_space<vmem>>, vector<1x1000x32xf32>
    %get3A_3 = vector.shape_cast %get3A_2 : vector<1x1000x32xf32> to vector<1000x32xf32>
    %get3A_4 = arith.constant 1 : index
    %get3A_5 = arith.constant 0 : index
    %get3A_6 = arith.constant 0 : index
    %get3A_7 = vector.load %arg1[%get3A_4, %get3A_5, %get3A_6] : memref<2x1000x32xf32, #tpu.memory_space<vmem>>, vector<1x1000x32xf32>
    %get3A_8 = vector.shape_cast %get3A_7 : vector<1x1000x32xf32> to vector<1000x32xf32>
    %add3A = arith.addf %get3A_3, %get3A_8 : vector<1000x32xf32>
    %get3A_9 = arith.constant 0 : index
    %get3A_10 = arith.constant 0 : index
    %get3A_11 = arith.constant 0 : index
    %get3A_12 = vector.load %arg3[%get3A_9, %get3A_10, %get3A_11] : memref<1x1x1000xf32, #tpu.memory_space<vmem>>, vector<1x1x1000xf32>
    %get3A_13 = vector.shape_cast %get3A_12 : vector<1x1x1000xf32> to vector<1000xf32>
    %reshape3A = vector.shape_cast %get3A_13 : vector<1000xf32> to vector<1000x1xf32>
    %mul3A = vector.broadcast %reshape3A : vector<1000x1xf32> to vector<1000x32xf32>
    %mul3A_14 = arith.mulf %add3A, %mul3A : vector<1000x32xf32>
    %get3A_15 = arith.constant 0 : index
    %get3A_16 = arith.constant 0 : index
    %get3A_17 = vector.load %arg4[%get3A_15, %get3A_16] : memref<1000x128xf32, #tpu.memory_space<vmem>>, vector<1000x128xf32>
    %get3A_18 = arith.constant 0 : index
    %get3A_19 = arith.constant 0 : index
    %get3A_20 = vector.load %arg5[%get3A_18, %get3A_19] : memref<128x32xf32, #tpu.memory_space<vmem>>, vector<128x32xf32>
    %dot_general3A = arith.constant dense<0.000000e+00> : vector<1000x32xf32>
    %dot_general3A_21 = tpu.matmul %get3A_17, %get3A_20, %dot_general3A {dimension_numbers = #tpu.dot_dimension_numbers<[1], [0], [0], [1], [0, 0, 1, 1], [], []>, transpose_lhs_hint = false} : vector<1000x128xf32>, vector<128x32xf32>, vector<1000x32xf32> -> vector<1000x32xf32>
    %add3A_22 = arith.addf %mul3A_14, %dot_general3A_21 : vector<1000x32xf32>
    %get3A_23 = arith.constant 0 : index
    %get3A_24 = arith.constant 0 : index
    %get3A_25 = vector.load %arg6[%get3A_23, %get3A_24] : memref<1x32xf32, #tpu.memory_space<vmem>>, vector<1x32xf32>
    %add3A_26 = vector.broadcast %get3A_25 : vector<1x32xf32> to vector<1000x32xf32>
    %add3A_27 = arith.addf %add3A_22, %add3A_26 : vector<1000x32xf32>
    %gt3A = arith.constant 0.000000e+00 : f32
    %gt3A_28 = vector.broadcast %gt3A : f32 to vector<1000x32xf32>
    %gt3A_29 = arith.cmpf ogt, %add3A_27, %gt3A_28 : vector<1000x32xf32>
    %min3A = arith.constant 0.000000e+00 : f32
    %min3A_30 = vector.broadcast %min3A : f32 to vector<1000x32xf32>
    %min3A_31 = arith.minimumf %add3A_27, %min3A_30 : vector<1000x32xf32>
    %exp3A = math.exp %min3A_31 : vector<1000x32xf32>
    %sub3A = arith.constant 1.000000e+00 : f32
    %sub3A_32 = vector.broadcast %sub3A : f32 to vector<1000x32xf32>
    %sub3A_33 = arith.subf %exp3A, %sub3A_32 : vector<1000x32xf32>
    %select_n3A = arith.select %gt3A_29, %add3A_27, %sub3A_33 : vector<1000x32xi1>, vector<1000x32xf32>
    %slice3A = vector.extract_strided_slice %select_n3A {offsets = [0, 0], sizes = [1000, 16], strides = [1, 1]} : vector<1000x32xf32> to vector<1000x16xf32>
    %slice3A_34 = vector.extract_strided_slice %select_n3A {offsets = [0, 16], sizes = [1000, 16], strides = [1, 1]} : vector<1000x32xf32> to vector<1000x16xf32>
    %add3A_35 = arith.addf %slice3A, %slice3A_34 : vector<1000x16xf32>
    %mul3A_36 = arith.constant 5.000000e-01 : f32
    %mul3A_37 = vector.broadcast %mul3A_36 : f32 to vector<1000x16xf32>
    %mul3A_38 = arith.mulf %mul3A_37, %add3A_35 : vector<1000x16xf32>
    %gt3A_39 = arith.constant 0.000000e+00 : f32
    %gt3A_40 = vector.broadcast %gt3A_39 : f32 to vector<1000x16xf32>
    %gt3A_41 = arith.cmpf ogt, %mul3A_38, %gt3A_40 : vector<1000x16xf32>
    %min3A_42 = arith.constant 0.000000e+00 : f32
    %min3A_43 = vector.broadcast %min3A_42 : f32 to vector<1000x16xf32>
    %min3A_44 = arith.minimumf %mul3A_38, %min3A_43 : vector<1000x16xf32>
    %exp3A_45 = math.exp %min3A_44 : vector<1000x16xf32>
    %sub3A_46 = arith.constant 1.000000e+00 : f32
    %sub3A_47 = vector.broadcast %sub3A_46 : f32 to vector<1000x16xf32>
    %sub3A_48 = arith.subf %exp3A_45, %sub3A_47 : vector<1000x16xf32>
    %select_n3A_49 = arith.select %gt3A_41, %mul3A_38, %sub3A_48 : vector<1000x16xi1>, vector<1000x16xf32>
    %swap3A = arith.constant 0 : index
    %swap3A_50 = arith.constant 0 : index
    %swap3A_51 = vector.load %arg8[%swap3A, %swap3A_50] : memref<1000x16xf32, #tpu.memory_space<vmem>>, vector<1000x16xf32>
    tpu.vector_store %arg8[%swap3A, %swap3A_50], %select_n3A_49 {strides = array<i32>} : memref<1000x16xf32, #tpu.memory_space<vmem>>, vector<1000x16xf32>,
    %get3A_52 = arith.constant 0 : index
    %get3A_53 = arith.constant 0 : index
    %get3A_54 = vector.load %arg7[%get3A_52, %get3A_53] : memref<16x8xf32, #tpu.memory_space<vmem>>, vector<16x8xf32>
    %dot_general3A_55 = arith.constant dense<0.000000e+00> : vector<1000x8xf32>
    %dot_general3A_56 = tpu.matmul %select_n3A_49, %get3A_54, %dot_general3A_55 {dimension_numbers = #tpu.dot_dimension_numbers<[1], [0], [0], [1], [0, 0, 1, 1], [], []>, transpose_lhs_hint = false} : vector<1000x16xf32>, vector<16x8xf32>, vector<1000x8xf32> -> vector<1000x8xf32>
    %get3A_57 = arith.constant 0 : index
    %get3A_58 = arith.constant 0 : index
    %get3A_59 = arith.constant 0 : index
    %get3A_60 = vector.load %arg2[%get3A_57, %get3A_58, %get3A_59] : memref<1x1x1000xf32, #tpu.memory_space<vmem>>, vector<1x1x1000xf32>
    %get3A_61 = vector.shape_cast %get3A_60 : vector<1x1x1000xf32> to vector<1000xf32>
    %reshape3A_62 = vector.shape_cast %get3A_61 : vector<1000xf32> to vector<1000x1xf32>
    %mul3A_63 = vector.broadcast %reshape3A_62 : vector<1000x1xf32> to vector<1000x8xf32>
    %mul3A_64 = arith.mulf %dot_general3A_56, %mul3A_63 : vector<1000x8xf32>
    %swap3A_65 = arith.constant 0 : index
    %swap3A_66 = arith.constant 0 : index
    %swap3A_67 = vector.load %arg9[%swap3A_65, %swap3A_66] : memref<1000x8xf32, #tpu.memory_space<vmem>>, vector<1000x8xf32>
    tpu.vector_store %arg9[%swap3A_65, %swap3A_66], %mul3A_64 {strides = array<i32>} : memref<1000x8xf32, #tpu.memory_space<vmem>>, vector<1000x8xf32>,
    return
  }
  func.func @transform_0(%arg0: i32) -> (i32, i32, i32) {
    %c0_i32 = arith.constant 0 : i32
    %c0_i32_0 = arith.constant 0 : i32
    %c0_i32_1 = arith.constant 0 : i32
    return %c0_i32, %arg0, %c0_i32_0 : i32, i32, i32
  }
  func.func @transform_1(%arg0: i32) -> (i32, i32, i32) {
    %c0_i32 = arith.constant 0 : i32
    %c0_i32_0 = arith.constant 0 : i32
    %c0_i32_1 = arith.constant 0 : i32
    return %arg0, %c0_i32, %c0_i32_0 : i32, i32, i32
  }
  func.func @transform_2(%arg0: i32) -> (i32, i32, i32) {
    %c0_i32 = arith.constant 0 : i32
    %c0_i32_0 = arith.constant 0 : i32
    %c0_i32_1 = arith.constant 0 : i32
    return %arg0, %c0_i32, %c0_i32_0 : i32, i32, i32
  }
  func.func @transform_3(%arg0: i32) -> (i32, i32) {
    %c0_i32 = arith.constant 0 : i32
    %c0_i32_0 = arith.constant 0 : i32
    return %arg0, %c0_i32 : i32, i32
  }
  func.func @transform_4(%arg0: i32) -> (i32, i32) {
    %c0_i32 = arith.constant 0 : i32
    %c0_i32_0 = arith.constant 0 : i32
    %c0_i32_1 = arith.constant 0 : i32
    return %c0_i32, %c0_i32_0 : i32, i32
  }
  func.func @transform_5(%arg0: i32) -> (i32, i32) {
    %c0_i32 = arith.constant 0 : i32
    %c0_i32_0 = arith.constant 0 : i32
    %c0_i32_1 = arith.constant 0 : i32
    return %c0_i32, %c0_i32_0 : i32, i32
  }
  func.func @transform_6(%arg0: i32) -> (i32, i32) {
    %c0_i32 = arith.constant 0 : i32
    %c0_i32_0 = arith.constant 0 : i32
    %c0_i32_1 = arith.constant 0 : i32
    return %c0_i32, %c0_i32_0 : i32, i32
  }
  func.func @transform_7(%arg0: i32) -> (i32, i32) {
    %c0_i32 = arith.constant 0 : i32
    %c0_i32_0 = arith.constant 0 : i32
    return %arg0, %c0_i32 : i32, i32
  }
  func.func @transform_8(%arg0: i32) -> (i32, i32) {
    %c0_i32 = arith.constant 0 : i32
    %c0_i32_0 = arith.constant 0 : i32
    return %arg0, %c0_i32 : i32, i32
  }
}

module attributes {stable_mosaic.version = 14 : i64} {
  func.func @_tcf_body(%arg0: i32, %arg1: memref<2x1000x8xf32, #tpu.memory_space<vmem>>, %arg2: memref<1x1x1000xf32, #tpu.memory_space<vmem>>, %arg3: memref<1000x16xf32, #tpu.memory_space<vmem>>, %arg4: memref<16x8xf32, #tpu.memory_space<vmem>>, %arg5: memref<1x8xf32, #tpu.memory_space<vmem>>, %arg6: memref<1000x7xf32, #tpu.memory_space<vmem>>) attributes {dimension_semantics = [#tpu.dimension_semantics<arbitrary>], iteration_bounds = array<i64: 10>, scalar_prefetch = 0 : i64, scratch_operands = 0 : i64, tpu.core_type = #tpu.core_type<tc>, window_params = [{transform_indices = @transform_0, window_bounds = array<i64: 2, 1000, 8>}, {transform_indices = @transform_1, window_bounds = array<i64: 1, 1, 1000>}, {transform_indices = @transform_2, window_bounds = array<i64: 1000, 16>}, {pipeline_mode = #tpu.pipeline_mode<synchronous>, transform_indices = @transform_3, window_bounds = array<i64: 16, 8>}, {pipeline_mode = #tpu.pipeline_mode<synchronous>, transform_indices = @transform_4, window_bounds = array<i64: 1, 8>}, {transform_indices = @transform_5, window_bounds = array<i64: 1000, 7>}]} {
    %get3A = arith.constant 0 : index
    %get3A_0 = arith.constant 0 : index
    %get3A_1 = arith.constant 0 : index
    %get3A_2 = vector.load %arg1[%get3A, %get3A_0, %get3A_1] : memref<2x1000x8xf32, #tpu.memory_space<vmem>>, vector<1x1000x8xf32>
    %get3A_3 = vector.shape_cast %get3A_2 : vector<1x1000x8xf32> to vector<1000x8xf32>
    %get3A_4 = arith.constant 1 : index
    %get3A_5 = arith.constant 0 : index
    %get3A_6 = arith.constant 0 : index
    %get3A_7 = vector.load %arg1[%get3A_4, %get3A_5, %get3A_6] : memref<2x1000x8xf32, #tpu.memory_space<vmem>>, vector<1x1000x8xf32>
    %get3A_8 = vector.shape_cast %get3A_7 : vector<1x1000x8xf32> to vector<1000x8xf32>
    %add3A = arith.addf %get3A_3, %get3A_8 : vector<1000x8xf32>
    %get3A_9 = arith.constant 0 : index
    %get3A_10 = arith.constant 0 : index
    %get3A_11 = arith.constant 0 : index
    %get3A_12 = vector.load %arg2[%get3A_9, %get3A_10, %get3A_11] : memref<1x1x1000xf32, #tpu.memory_space<vmem>>, vector<1x1x1000xf32>
    %get3A_13 = vector.shape_cast %get3A_12 : vector<1x1x1000xf32> to vector<1000xf32>
    %reshape3A = vector.shape_cast %get3A_13 : vector<1000xf32> to vector<1000x1xf32>
    %mul3A = vector.broadcast %reshape3A : vector<1000x1xf32> to vector<1000x8xf32>
    %mul3A_14 = arith.mulf %add3A, %mul3A : vector<1000x8xf32>
    %get3A_15 = arith.constant 0 : index
    %get3A_16 = arith.constant 0 : index
    %get3A_17 = vector.load %arg3[%get3A_15, %get3A_16] : memref<1000x16xf32, #tpu.memory_space<vmem>>, vector<1000x16xf32>
    %get3A_18 = arith.constant 0 : index
    %get3A_19 = arith.constant 0 : index
    %get3A_20 = vector.load %arg4[%get3A_18, %get3A_19] : memref<16x8xf32, #tpu.memory_space<vmem>>, vector<16x8xf32>
    %dot_general3A = arith.constant dense<0.000000e+00> : vector<1000x8xf32>
    %dot_general3A_21 = tpu.matmul %get3A_17, %get3A_20, %dot_general3A {dimension_numbers = #tpu.dot_dimension_numbers<[1], [0], [0], [1], [0, 0, 1, 1], [], []>, transpose_lhs_hint = false} : vector<1000x16xf32>, vector<16x8xf32>, vector<1000x8xf32> -> vector<1000x8xf32>
    %add3A_22 = arith.addf %mul3A_14, %dot_general3A_21 : vector<1000x8xf32>
    %get3A_23 = arith.constant 0 : index
    %get3A_24 = arith.constant 0 : index
    %get3A_25 = vector.load %arg5[%get3A_23, %get3A_24] : memref<1x8xf32, #tpu.memory_space<vmem>>, vector<1x8xf32>
    %add3A_26 = vector.broadcast %get3A_25 : vector<1x8xf32> to vector<1000x8xf32>
    %add3A_27 = arith.addf %add3A_22, %add3A_26 : vector<1000x8xf32>
    %reduce_max3A = arith.constant dense<0xFF800000> : vector<1000xf32>
    %reduce_max3A_28 = vector.multi_reduction <maximumf>, %add3A_27, %reduce_max3A [1] : vector<1000x8xf32> to vector<1000xf32>
    %broadcast_in_dim3A = vector.shape_cast %reduce_max3A_28 : vector<1000xf32> to vector<1000x1xf32>
    %sub3A = vector.broadcast %broadcast_in_dim3A : vector<1000x1xf32> to vector<1000x8xf32>
    %sub3A_29 = arith.subf %add3A_27, %sub3A : vector<1000x8xf32>
    %exp3A = math.exp %sub3A_29 : vector<1000x8xf32>
    %reduce_sum3A = arith.constant dense<0.000000e+00> : vector<1000xf32>
    %reduce_sum3A_30 = vector.multi_reduction <add>, %exp3A, %reduce_sum3A [1] : vector<1000x8xf32> to vector<1000xf32>
    %broadcast_in_dim3A_31 = vector.shape_cast %reduce_sum3A_30 : vector<1000xf32> to vector<1000x1xf32>
    %div3A = vector.broadcast %broadcast_in_dim3A_31 : vector<1000x1xf32> to vector<1000x8xf32>
    %div3A_32 = arith.divf %exp3A, %div3A : vector<1000x8xf32>
    %slice3A = vector.extract_strided_slice %div3A_32 {offsets = [0, 0], sizes = [1000, 7], strides = [1, 1]} : vector<1000x8xf32> to vector<1000x7xf32>
    %swap3A = arith.constant 0 : index
    %swap3A_33 = arith.constant 0 : index
    %swap3A_34 = vector.load %arg6[%swap3A, %swap3A_33] : memref<1000x7xf32, #tpu.memory_space<vmem>>, vector<1000x7xf32>
    tpu.vector_store %arg6[%swap3A, %swap3A_33], %slice3A {strides = array<i32>} : memref<1000x7xf32, #tpu.memory_space<vmem>>, vector<1000x7xf32>,
    return
  }
  func.func @transform_0(%arg0: i32) -> (i32, i32, i32) {
    %c0_i32 = arith.constant 0 : i32
    %c0_i32_0 = arith.constant 0 : i32
    %c0_i32_1 = arith.constant 0 : i32
    return %c0_i32, %arg0, %c0_i32_0 : i32, i32, i32
  }
  func.func @transform_1(%arg0: i32) -> (i32, i32, i32) {
    %c0_i32 = arith.constant 0 : i32
    %c0_i32_0 = arith.constant 0 : i32
    %c0_i32_1 = arith.constant 0 : i32
    return %arg0, %c0_i32, %c0_i32_0 : i32, i32, i32
  }
  func.func @transform_2(%arg0: i32) -> (i32, i32) {
    %c0_i32 = arith.constant 0 : i32
    %c0_i32_0 = arith.constant 0 : i32
    return %arg0, %c0_i32 : i32, i32
  }
  func.func @transform_3(%arg0: i32) -> (i32, i32) {
    %c0_i32 = arith.constant 0 : i32
    %c0_i32_0 = arith.constant 0 : i32
    %c0_i32_1 = arith.constant 0 : i32
    return %c0_i32, %c0_i32_0 : i32, i32
  }
  func.func @transform_4(%arg0: i32) -> (i32, i32) {
    %c0_i32 = arith.constant 0 : i32
    %c0_i32_0 = arith.constant 0 : i32
    %c0_i32_1 = arith.constant 0 : i32
    return %c0_i32, %c0_i32_0 : i32, i32
  }
  func.func @transform_5(%arg0: i32) -> (i32, i32) {
    %c0_i32 = arith.constant 0 : i32
    %c0_i32_0 = arith.constant 0 : i32
    return %arg0, %c0_i32 : i32, i32
  }
}

</mosaic_0001>

<sc_bundles>
// kernel: kernel.11.cloned.1.call-start
scs
__scs_entry_jumppad:
0x0: {  	(pc) =	sbr.rel $0x88, $3  }
0x1: {  	(tag) =	ssettag $0x0;
	lr =	simm.s32 $0x1  }
0x2: {  	[smem:$0x3F96] =	sst lr;
	_ =	strace $0xD0000000  }
0x3: {  	_ = 	snop  }
0x4: {  	_ = 	snop  }
0x5: {  	_ = 	snop  }
0x6: {  	_ = 	snop  }
0x7: {  	_ = 	snop  }
__scs_overlays_trampoline_lowered:
0x8: {  	[smem:$0x3FA5] =	sst s0  }
0x9: {  	[smem:$0x3FA6] =	sst s1  }
0xa: {  	[smem:$0x3FA7] =	sst s2  }
0xb: {  	[smem:$0x3FA8] =	sst s3  }
0xc: {  	[smem:$0x3FA9] =	sst s4  }
0xd: {  	[smem:$0x3FAA] =	sst s5  }
0xe: {  	[smem:$0x3FAB] =	sst s6  }
0xf: {  	[smem:$0x3FAC] =	sst s7  }
0x10: {  	[smem:$0x3FAD] =	sst s8  }
0x11: {  	[smem:$0x3FAE] =	sst s9;
	s0 =	simm.s32 @!p0 $0x0  }
0x12: {  	s1 =	sld [smem:$0x3F94];
	s0 =	simm.s32 @p0 $0x1  }
0x13: {  	[smem:$0x3FAF] =	sst s0;
	s0 =	simm.s32 @!p1 $0x0  }
0x14: {  	s2 =	sld [smem:$0x3F93];
	s0 =	simm.s32 @p1 $0x1  }
0x15: {  	[smem:$0x3FB0] =	sst s0;
	s0 =	simm.s32 @!p2 $0x0  }
0x16: {  	s3 =	sld [smem:$0x3FDB];
	s0 =	simm.s32 @p2 $0x1  }
0x17: {  	s4 =	simm.s32 $0x1BF5;
	[smem:$0x3FB2] =	sst s0  }
0x18: {  	s0 =	sld [smem:$0x3F95];
	_ =	swait.ge [sflag:s4], $0x0  }
0x19: {  	s7 =	sld [smem:$0x3F96]  }
0x1a: {  	s8 =	sadd.s32 $0xFFFFE003, lr  }
0x1b: {  	s9 =	sadd.s32 $0xFFFFFEF7, lr;
	s5 =	simm.s32 $0xFFFFFFFF;
	p2 =	slt.u32 s8, $0xFFFFF086  }
0x1c: {  	p1 =	slt.u32 s9, $0xF7A;
	s5 =	simm.s32 @!p2 $0x0  }
0x1d: {  	s5 =	simm.s32 @p1 $0x1;
	p0 =	seq.s32 s7, s2  }
0x1e: {  	s7 =	smul.u32 @!p0 $0xF7A, s2;
	p2 =	seq.s32 @!p0 s5, $0x0  }
0x1f: {  	s9 =	smul.u32 $0xF7A, s1;
	s8 =	simm.s32 @!p0 $0x1BF5;
	p2 =	por !p2, p0  }
0x20: {  	[sflag:s8] =	ssyncset.s32 @!p0 $0xFFFFF086;
	s6 =	sadd.s32 @!p0 s3, s7;
	s7 =	simm.s32 @!p0 $0x108  }
0x21: {  	s3 =	sadd.s32 s3, s9;
	s6 =	sadd.s32 @!p0 $0x88, s6;
	s7 =	simm.s32 @p2 $0x1082  }
0x22: {  	[simem:s7], [sflag:s8] =	dma.local @!p0 [hbm:s6], $0xF7A  }
0x23: {  	s9 =	sor.u32 $0xD0000000, s2;
	s6 =	simm.s32 $0x108;
	_ =	swait.ge @!p0 [sflag:s8], $0x0  }
0x24: {  	s3 =	sadd.s32 $0x88, s3;
	s6 =	simm.s32 @!p1 $0x1082;
	[sflag:s4] =	ssyncset.s32 $0xFFFFF086  }
0x25: {  	[simem:s6], [sflag:s4] =	dma.local [hbm:s3], $0xF7A  }
0x26: {  	[smem:$0x3F96] =	sst s1;
	(tag) =	ssettag s2;
	_ =	strace s9  }
0x27: {  	s1 =	sld [smem:$0x3FA6]  }
0x28: {  	s2 =	sld [smem:$0x3FA7]  }
0x29: {  	s4 =	sld [smem:$0x3FA9]  }
0x2a: {  	p0 =	seq.s32 s5, $0x0;
	s5 =	sld [smem:$0x3FAA]  }
0x2b: {  	s6 =	sld [smem:$0x3FAB]  }
0x2c: {  	s7 =	sld [smem:$0x3FAC]  }
0x2d: {  	s3 =	simm.s32 $0x108;
	s8 =	sld [smem:$0x3FAD]  }
0x2e: {  	s3 =	simm.s32 @!p0 $0x1082;
	s9 =	sld [smem:$0x3FAE]  }
0x2f: {  	lr =	sadd.s32 s0, s3;
	s0 =	sld [smem:$0x3FA5]  }
0x30: {  	s3 =	sld [smem:$0x3FA8]  }
0x31: {  	[smem:$0x3FB1] =	sst s10  }
0x32: {  	s10 =	sld [smem:$0x3FAF];
	_ =	sdelay $0x3  }
0x33: {  	p0 =	seq.s32 s10, $0x1;
	s10 =	sld [smem:$0x3FB1];
	_ =	sdelay $0x3  }
0x34: {  	[smem:$0x3FB1] =	sst s10  }
0x35: {  	s10 =	sld [smem:$0x3FB0];
	_ =	sdelay $0x3  }
0x36: {  	p1 =	seq.s32 s10, $0x1;
	s10 =	sld [smem:$0x3FB1];
	_ =	sdelay $0x3  }
0x37: {  	[smem:$0x3FB1] =	sst s10  }
0x38: {  	s10 =	sld [smem:$0x3FB2]  }
0x39: {  	_ = 	snop;
	(pc) =	sbr.ind lr, $3  }
0x3a: {  	_ = 	snop  }
0x3b: {  	_ = 	snop  }
0x3c: {  	p2 =	seq.s32 s10, $0x1;
	s10 =	sld [smem:$0x3FB1]  }
0x3d: {  	_ =	shalt  }
0x3e: {  	_ =	shalt  }
0x3f: {  	_ =	shalt  }
0x40: {  	_ =	shalt  }
0x41: {  	_ =	shalt  }
0x42: {  	_ =	shalt  }
0x43: {  	_ =	shalt  }
0x44: {  	_ =	shalt  }
0x45: {  	_ =	shalt  }
0x46: {  	_ =	shalt  }
0x47: {  	_ =	shalt  }
0x48: {  	_ =	shalt  }
0x49: {  	_ =	shalt  }
0x4a: {  	_ =	shalt  }
0x4b: {  	_ =	shalt  }
0x4c: {  	_ =	shalt  }
0x4d: {  	_ =	shalt  }
0x4e: {  	_ =	shalt  }
0x4f: {  	_ =	shalt  }
0x50: {  	_ =	shalt  }
0x51: {  	_ =	shalt  }
0x52: {  	_ =	shalt  }
0x53: {  	_ =	shalt  }
0x54: {  	_ =	shalt  }
0x55: {  	_ =	shalt  }
0x56: {  	_ =	shalt  }
0x57: {  	_ =	shalt  }
0x58: {  	_ =	shalt  }
0x59: {  	_ =	shalt  }
0x5a: {  	_ =	shalt  }
0x5b: {  	_ =	shalt  }
0x5c: {  	_ =	shalt  }
0x5d: {  	_ =	shalt  }
0x5e: {  	_ =	shalt  }
0x5f: {  	_ =	shalt  }
0x60: {  	_ =	shalt  }
0x61: {  	_ =	shalt  }
0x62: {  	_ =	shalt  }
0x63: {  	_ =	shalt  }
0x64: {  	_ =	shalt  }
0x65: {  	_ =	shalt  }
0x66: {  	_ =	shalt  }
0x67: {  	_ =	shalt  }
0x68: {  	_ =	shalt  }
0x69: {  	_ =	shalt  }
0x6a: {  	_ =	shalt  }
0x6b: {  	_ =	shalt  }
0x6c: {  	_ =	shalt  }
0x6d: {  	_ =	shalt  }
0x6e: {  	_ =	shalt  }
0x6f: {  	_ =	shalt  }
0x70: {  	_ =	shalt  }
0x71: {  	_ =	shalt  }
0x72: {  	_ =	shalt  }
0x73: {  	_ =	shalt  }
0x74: {  	_ =	shalt  }
0x75: {  	_ =	shalt  }
0x76: {  	_ =	shalt  }
0x77: {  	_ =	shalt  }
0x78: {  	_ =	shalt  }
0x79: {  	_ =	shalt  }
0x7a: {  	_ =	shalt  }
0x7b: {  	_ =	shalt  }
0x7c: {  	_ =	shalt  }
0x7d: {  	_ =	shalt  }
0x7e: {  	_ =	shalt  }
0x7f: {  	_ =	shalt  }
0x80: {  	_ =	shalt  }
0x81: {  	_ =	shalt  }
0x82: {  	_ =	shalt  }
0x83: {  	_ =	shalt  }
0x84: {  	_ =	shalt  }
0x85: {  	_ =	shalt  }
0x86: {  	_ =	shalt  }
0x87: {  	_ =	shalt  }
.Lfunc_end0:
.L_simem_size_0:
called_computation.1_lowered:
.L_overlay_start_0:
0x88: {  	s2 =	sld [smem:$0x3FD9]  }
0x89: {  	s3 =	sld [smem:$0x3FFE];
	_ =	sdelay $0x1  }
0x8a: {  	s1 =	srdreg.scid  }
0x8b: {  	s0 =	sand.u32 $0x1, s1  }
0x8c: {  	s16 =	sshll.u32 s0, $0xA;
	s2 =	sadd.s32 s3, s2  }
0x8d: {  	s2 =	sadd.s32 s2, s16  }
0x8e: {  	[smem:$0x3FBD] =	sst s2  }
0x8f: {  	_ = 	snop  }
0x90: {  	(tm) =	ssettm $0x1  }
0x91: {  	s17 =	sld [smem:$0x3FFB];
	_ =	sdelay $0x3  }
0x92: {  	_ =	strace s17  }
0x93: {  	s2 =	sld [smem:$0x3FFC];
	_ =	sdelay $0x3  }
0x94: {  	_ =	strace s2  }
0x95: {  	s2 =	sld [smem:$0x3FFD];
	_ =	sdelay $0x3  }
0x96: {  	_ =	strace s2  }
0x97: {  	_ =	strace $0x8FFFFFFF  }
0x98: {  	s18 =	sld [smem:$0x3FDB];
	_ =	sdelay $0x1  }
0x99: {  	s19 =	simm.s32 $_scs_section_size  }
0x9a: {  	s4 =	simm.s32 $_size__tile_overlayer_lowered;
	s5 =	simm.s32 $_tile_overlayer_lowered  }
0x9b: {  	s22 =	simm.s32 $0x1BFF;
	s21 =	sshll.u32 s5, $0x1;
	s2 =	sadd.s32 s19, s18  }
0x9c: {  	s6 =	simm.s32 $0x0;
	s20 =	sshll.u32 s4, $0x1;
	s4 =	sadd.s32 s21, s2  }
0x9d: {  	[timem:s6], [sflag:s22] =	dma.local [hbm:s4], s20  }
0x9e: {  	_ =	swait.ge [sflag:s22], s20  }
0x9f: {  	s3 =	ssub.s32 $0x0, s20;
	[sflag:s22] =	ssyncset.done $0x0  }
0xa0: {  	[sflag:s22] =	ssyncadd.s32 s3;
	_ =	sdelay $0x1  }
0xa1: {  	s23 =	simm.s32 $0x1B8B  }
0xa2: {  	_ =	swait.ge [sflag:s23], $0x1  }
0xa3: {  	[sflag:s23] =	ssyncset.done $0x0  }
0xa4: {  	s25 =	simm.s32 $0x1B8E;
	s24 =	sld [smem:$0x3FFE];
	[sflag:s23] =	ssyncadd.s32 $0xFFFFFFFF  }
0xa5: {  	s26 =	simm.s32 $execute0_lowered;
	[smem:$0x3FD2] =	sst s25  }
0xa6: {  	s4 =	sshll.u32 s26, $0x1;
	_ =	strace $0x80000049;
	[dreg:$0x1] =	wrdreg $0xFFFFFFFF  }
0xa7: {  	s28 =	simm.s32 $_size_execute0_lowered;
	s2 =	sadd.s32 s2, s4;
	[dreg:$0x0] =	wrdreg $0x0  }
0xa8: {  	s4 =	sshll.u32 s28, $0x1;
	[dreg:$0x2] =	wrdreg s2  }
0xa9: {  	[dreg:$0x3] =	wrdreg s4  }
0xaa: {  	[dreg:$0x4] =	wrdreg $0xC0  }
0xab: {  	_ =	task [dreg:s6], $0x5FFFF  }
0xac: {  	[dreg:$0x1] =	wrdreg $0xFFFFFFFF  }
0xad: {  	[dreg:$0x0] =	wrdreg $0x60  }
0xae: {  	[dreg:$0x2] =	wrdreg s24  }
0xaf: {  	[dreg:$0x3] =	wrdreg $0x148200  }
0xb0: {  	[dreg:$0x4] =	wrdreg $0x9  }
0xb1: {  	_ =	task.clear_ibuf [dreg:s6], $0x5FFFF;
	_ =	strace $0x90000049  }
0xb2: {  	s29 =	simm.s32 $0x9;
	_ =	strace $0x8000004B  }
0xb3: {  	_ =	swait.ge [sflag:s29], $0x1  }
0xb4: {  	[sflag:s29] =	ssyncadd.s32 $0xFFFFFFFF  }
0xb5: {  	_ =	strace $0x9000004B  }
0xb6: {  	_ =	sfence  }
0xb7: {  	s30 =	sld [smem:$0x0];
	_ =	sdelay $0x2  }
0xb8: {  	s31 =	sshll.u32 s1, $0xD;
	s1 =	sshrl.u32 s1, $0x2  }
0xb9: {  	s3 =	sand.u32 $0x4000, s31;
	s1 =	sadd.s32 s1, s30  }
0xba: {  	s0 =	sor.u32 s3, s0;
	s1 =	sshll.u32 s1, $0x11  }
0xbb: {  	s0 =	sor.u32 s1, s0  }
0xbc: {  	s0 =	sadd.s32 $0x8F2B, s0  }
0xbd: {  	[sflag:s0] =	ssyncadd.remote.s32 $0x1  }
0xbe: {  	_ =	sfence.sel $0xFFFF  }
0xbf: {  	[dreg:$0x0] =	wrdreg $0xFFFFFFFF;
	(pc) =	sbr.abs _section_cstart, $3  }
0xc0: {  	[dreg:$0x1] =	wrdreg $0xFFFFFFFF  }
0xc1: {  	_ =	task.clear_ibuf [dreg:s6], $0x2FFFF;
	_ =	strace $0x9FFFFFFF  }
0xc2: {  	(tm) =	ssettm $0x7FFFFFFF  }
0xc3: {  	_ =	shalt  }
tec
execute0_lowered:
.L_overlay_start_1:
0x0: {  	(tag) =	ssettag $0x1  }
0x1: {  	s1 =	srdreg.scid;
	s9 =	rddreg [dreg:$0x0]  }
0x2: {  	s0 =	stileid.u32;
	s2 =	rddreg [dreg:$0x1]  }
0x3: {  	s22 =	simm.s32 $0x7D0;
	s23 =	simm.s32 $0x2AF8;
	s24 =	simm.s32 $0xBB8  }
0x4: {  	s1 =	sand.u32 $0x1, s1;
	s3 =	sshll.u32 s0, $0x1;
	s5 =	smul.u32 $0x7D00, s0  }
0x5: {  	s4 =	sor.u32 s1, s3;
	s3 =	simm.s32 $0x0;
	s7 =	smul.u32 $0x4E200, s1  }
0x6: {  	p0 =	sgt.u32 s0, $0x9;
	s4 =	smul.u32 $0x4E2, s4;
	[smem:$0x7FF] =	sst s3  }
0x7: {  	s6 =	sshrl.u32 s5, $0x3;
	_ =	strace $0x8000004A;
	[dreg:$0x7] =	wrdreg s22  }
0x8: {  	s6 =	sadd.s32 s6, s9;
	s7 =	sadd.s32 s5, s7;
	[dreg:$0x8] =	wrdreg s23  }
0x9: {  	[dreg:$0x9] =	wrdreg s24;
	s4 =	sadd.s32 s4, s9;
	s6 =	sadd.s32 $0x20000, s6  }
0xa: {  	s7 =	sshrl.u32 s7, $0x3;
	[dreg:$0x3] =	wrdreg s6;
	s20 =	sadd.s32 $0xC400, s4  }
0xb: {  	s7 =	sadd.s32 s7, s9;
	s4 =	sadd.s32 $0x2600, s4;
	[dreg:$0x4] =	wrdreg s20  }
0xc: {  	s6 =	sadd.s32 s5, s2;
	[dreg:$0x5] =	wrdreg s4;
	s21 =	sadd.s32 $0x29E00, s7  }
0xd: {  	s4 =	sshll.u32 @!p0 s0, $0x6;
	s8 =	rddreg [dreg:$0x3];
	s6 =	sshrl.u32 @!p0 s6, $0x3  }
0xe: {  	[dreg:$0x6] =	wrdreg s21;
	s5 =	sor.u32 @!p0 $0x1C05, s4;
	s4 =	simm.s32 @!p0 $0x5  }
0xf: {  	[spmem:s6], [sflag:s5] =	dma.local @!p0 [hbm:s8], $0xFA0  }
0x10: {  	_ =	swait.ge @!p0 [sflag:s4], $0xFA0  }
0x11: {  	[sflag:s4] =	ssyncset.done @!p0 $0x0  }
0x12: {  	s7 =	simm.s32 $0x5;
	s25 =	rddreg [dreg:$0x4];
	[sflag:s4] =	ssyncadd.s32 @!p0 $0xFFFFF060  }
0x13: {  	[tilespmem:s3], [sflag:$0x5] =	stream.linear.gather [hbm4b:s25+s3], $0x2710, $0x38;
	[tilespmem:$0x19640] =	vst v63  }
0x14: {  	_ =	swait.ge [sflag:s7], $0x2710  }
0x15: {  	[sflag:s7] =	ssyncset.done $0x0  }
0x16: {  	s8 =	simm.s32 $0x2710;
	s10 =	rddreg [dreg:$0x5];
	[sflag:s7] =	ssyncadd.s32 $0xFFFFD8F0  }
0x17: {  	[tilespmem:s8], [sflag:$0x5] =	stream.linear.gather [hbm4b:s10+s3], $0x2710, $0x38;
	[tilespmem:$0x19640] =	vst v63  }
0x18: {  	_ =	swait.ge [sflag:s7], $0x2710  }
0x19: {  	[sflag:s7] =	ssyncset.done $0x0  }
0x1a: {  	s11 =	simm.s32 $0x4E20;
	[sflag:s7] =	ssyncadd.s32 $0xFFFFD8F0  }
0x1b: {  	s9 =	sadd.s32 $0x16200, s9;
	s10 =	simm.s32 $0x3E8;
	[bflag:$0x0] =	sbarrier.arrive $0xFFFF  }
0x1c: {  	[tilespmem:s11], [sflag:$0x1] =	stream.indirect.gather [hbm4b:s9+s10], $0x20, s3, s10, $0xb8;
	[tilespmem:$0x19640] =	vst v63  }
0x1d: {  	s12 =	simm.s32 $0xCB20;
	s13 =	simm.s32 $0x1  }
0x1e: {  	[tilespmem:s12], [sflag:$0x2] =	stream.indirect.gather [hbm4b:s9+s10], $0x20, s10, s10, $0xb8;
	[tilespmem:$0x19640] =	vst v63  }
0x1f: {  	_ =	swait.ge [sflag:s13], $0x7D00  }
0x20: {  	[sflag:s13] =	ssyncset.done $0x0  }
0x21: {  	s14 =	simm.s32 $0x3;
	[sflag:s13] =	ssyncadd.s32 $0xFFFF8300  }
0x22: {  	[spmem:s2] =	stream.indirect.scatter.add.f32 [tilespmem:s11], [sflag:$0x3], $0x20, s8, s10, $0xb8;
	[tilespmem:$0x19640] =	vst v63  }
0x23: {  	_ =	swait.ge [sflag:s14], $0x7D00  }
0x24: {  	[sflag:s14] =	ssyncset.done $0x0  }
0x25: {  	s15 =	simm.s32 $0x2;
	s16 =	rddreg [dreg:$0x7];
	[sflag:s14] =	ssyncadd.s32 $0xFFFF8300  }
0x26: {  	[tilespmem:s11], [sflag:$0x1] =	stream.indirect.gather [hbm4b:s9+s10], $0x20, s16, s10, $0xb8;
	[tilespmem:$0x19640] =	vst v63  }
0x27: {  	_ =	swait.ge [sflag:s15], $0x7D00  }
0x28: {  	[sflag:s15] =	ssyncset.done $0x0  }
0x29: {  	s16 =	simm.s32 $0x4;
	s17 =	rddreg [dreg:$0x8];
	[sflag:s15] =	ssyncadd.s32 $0xFFFF8300  }
0x2a: {  	[spmem:s2] =	stream.indirect.scatter.add.f32 [tilespmem:s12], [sflag:$0x4], $0x20, s17, s10, $0xb8;
	[tilespmem:$0x19640] =	vst v63  }
0x2b: {  	_ =	swait.ge [sflag:s16], $0x7D00  }
0x2c: {  	[sflag:s16] =	ssyncset.done $0x0  }
0x2d: {  	s26 =	rddreg [dreg:$0x9];
	[sflag:s16] =	ssyncadd.s32 $0xFFFF8300  }
0x2e: {  	[tilespmem:s12], [sflag:$0x2] =	stream.indirect.gather [hbm4b:s9+s10], $0x20, s26, s10, $0xb8;
	[tilespmem:$0x19640] =	vst v63  }
0x2f: {  	_ =	swait.ge [sflag:s13], $0x7D00  }
0x30: {  	[sflag:s13] =	ssyncset.done $0x0  }
0x31: {  	s17 =	simm.s32 $0x2EE0;
	[sflag:s13] =	ssyncadd.s32 $0xFFFF8300  }
0x32: {  	[spmem:s2] =	stream.indirect.scatter.add.f32 [tilespmem:s11], [sflag:$0x3], $0x20, s17, s10, $0xb8;
	[tilespmem:$0x19640] =	vst v63  }
0x33: {  	_ =	swait.ge [sflag:s14], $0x7D00  }
0x34: {  	[sflag:s14] =	ssyncset.done $0x0  }
0x35: {  	s18 =	simm.s32 $0xFA0;
	[sflag:s14] =	ssyncadd.s32 $0xFFFF8300  }
0x36: {  	[tilespmem:s11], [sflag:$0x1] =	stream.indirect.gather [hbm4b:s9+s10], $0x20, s18, s10, $0xb8;
	[tilespmem:$0x19640] =	vst v63  }
0x37: {  	_ =	swait.ge [sflag:s15], $0x7D00  }
0x38: {  	[sflag:s15] =	ssyncset.done $0x0  }
0x39: {  	s19 =	simm.s32 $0x32C8;
	[sflag:s15] =	ssyncadd.s32 $0xFFFF8300  }
0x3a: {  	[spmem:s2] =	stream.indirect.scatter.add.f32 [tilespmem:s12], [sflag:$0x4], $0x20, s19, s10, $0xb8;
	[tilespmem:$0x19640] =	vst v63  }
0x3b: {  	_ =	swait.ge [sflag:s16], $0x7D00  }
0x3c: {  	[sflag:s16] =	ssyncset.done $0x0  }
0x3d: {  	s20 =	simm.s32 $0x1388;
	[sflag:s16] =	ssyncadd.s32 $0xFFFF8300  }
0x3e: {  	[tilespmem:s12], [sflag:$0x2] =	stream.indirect.gather [hbm4b:s9+s10], $0x20, s20, s10, $0xb8;
	[tilespmem:$0x19640] =	vst v63  }
0x3f: {  	_ =	swait.ge [sflag:s13], $0x7D00  }
0x40: {  	[sflag:s13] =	ssyncset.done $0x0  }
0x41: {  	s21 =	simm.s32 $0x36B0;
	[sflag:s13] =	ssyncadd.s32 $0xFFFF8300  }
0x42: {  	[spmem:s2] =	stream.indirect.scatter.add.f32 [tilespmem:s11], [sflag:$0x3], $0x20, s21, s10, $0xb8;
	[tilespmem:$0x19640] =	vst v63  }
0x43: {  	_ =	swait.ge [sflag:s14], $0x7D00  }
0x44: {  	[sflag:s14] =	ssyncset.done $0x0  }
0x45: {  	s22 =	simm.s32 $0x1770;
	[sflag:s14] =	ssyncadd.s32 $0xFFFF8300  }
0x46: {  	[tilespmem:s11], [sflag:$0x1] =	stream.indirect.gather [hbm4b:s9+s10], $0x20, s22, s10, $0xb8;
	[tilespmem:$0x19640] =	vst v63  }
0x47: {  	_ =	swait.ge [sflag:s15], $0x7D00  }
0x48: {  	[sflag:s15] =	ssyncset.done $0x0  }
0x49: {  	s23 =	simm.s32 $0x3A98;
	[sflag:s15] =	ssyncadd.s32 $0xFFFF8300  }
0x4a: {  	[spmem:s2] =	stream.indirect.scatter.add.f32 [tilespmem:s12], [sflag:$0x4], $0x20, s23, s10, $0xb8;
	[tilespmem:$0x19640] =	vst v63  }
0x4b: {  	_ =	swait.ge [sflag:s16], $0x7D00  }
0x4c: {  	[sflag:s16] =	ssyncset.done $0x0  }
0x4d: {  	s24 =	simm.s32 $0x1B58;
	[sflag:s16] =	ssyncadd.s32 $0xFFFF8300  }
0x4e: {  	[tilespmem:s12], [sflag:$0x2] =	stream.indirect.gather [hbm4b:s9+s10], $0x20, s24, s10, $0xb8;
	[tilespmem:$0x19640] =	vst v63  }
0x4f: {  	_ =	swait.ge [sflag:s13], $0x7D00  }
0x50: {  	[sflag:s13] =	ssyncset.done $0x0  }
0x51: {  	s25 =	simm.s32 $0x3E80;
	[sflag:s13] =	ssyncadd.s32 $0xFFFF8300  }
0x52: {  	[spmem:s2] =	stream.indirect.scatter.add.f32 [tilespmem:s11], [sflag:$0x3], $0x20, s25, s10, $0xb8;
	[tilespmem:$0x19640] =	vst v63  }
0x53: {  	_ =	swait.ge [sflag:s14], $0x7D00  }
0x54: {  	[sflag:s14] =	ssyncset.done $0x0  }
0x55: {  	s26 =	simm.s32 $0x1F40;
	[sflag:s14] =	ssyncadd.s32 $0xFFFF8300  }
0x56: {  	[tilespmem:s11], [sflag:$0x1] =	stream.indirect.gather [hbm4b:s9+s10], $0x20, s26, s10, $0xb8;
	[tilespmem:$0x19640] =	vst v63  }
0x57: {  	_ =	swait.ge [sflag:s15], $0x7D00  }
0x58: {  	[sflag:s15] =	ssyncset.done $0x0  }
0x59: {  	s28 =	simm.s32 $0x4268;
	[sflag:s15] =	ssyncadd.s32 $0xFFFF8300  }
0x5a: {  	[spmem:s2] =	stream.indirect.scatter.add.f32 [tilespmem:s12], [sflag:$0x4], $0x20, s28, s10, $0xb8;
	[tilespmem:$0x19640] =	vst v63  }
0x5b: {  	_ =	swait.ge [sflag:s16], $0x7D00  }
0x5c: {  	[sflag:s16] =	ssyncset.done $0x0  }
0x5d: {  	s29 =	simm.s32 $0x2328;
	[sflag:s16] =	ssyncadd.s32 $0xFFFF8300  }
0x5e: {  	[tilespmem:s12], [sflag:$0x2] =	stream.indirect.gather [hbm4b:s9+s10], $0x20, s29, s10, $0xb8;
	[tilespmem:$0x19640] =	vst v63  }
0x5f: {  	_ =	swait.ge [sflag:s13], $0x7D00  }
0x60: {  	[sflag:s13] =	ssyncset.done $0x0  }
0x61: {  	s30 =	simm.s32 $0x4650;
	[sflag:s13] =	ssyncadd.s32 $0xFFFF8300  }
0x62: {  	[spmem:s2] =	stream.indirect.scatter.add.f32 [tilespmem:s11], [sflag:$0x3], $0x20, s30, s10, $0xb8;
	[tilespmem:$0x19640] =	vst v63  }
0x63: {  	_ =	swait.ge [sflag:s15], $0x7D00  }
0x64: {  	[sflag:s15] =	ssyncset.done $0x0  }
0x65: {  	s31 =	simm.s32 $0x4A38;
	[sflag:s15] =	ssyncadd.s32 $0xFFFF8300  }
0x66: {  	[spmem:s2] =	stream.indirect.scatter.add.f32 [tilespmem:s12], [sflag:$0x4], $0x20, s31, s10, $0xb8;
	[tilespmem:$0x19640] =	vst v63  }
0x67: {  	_ =	swait.ge [sflag:s14], $0x7D00  }
0x68: {  	[sflag:s14] =	ssyncset.done $0x0  }
0x69: {  	[sflag:s14] =	ssyncadd.s32 $0xFFFF8300  }
0x6a: {  	_ =	swait.ge [sflag:s16], $0x7D00  }
0x6b: {  	[sflag:s16] =	ssyncset.done $0x0  }
0x6c: {  	[sflag:s16] =	ssyncadd.s32 $0xFFFF8300  }
0x6d: {  	[bflag:$0x0] =	sbarrier.arrive $0xFFFF  }
0x6e: {  	s1 =	ssub.s32 $0x2, s1;
	s0 =	rddreg [dreg:$0x6]  }
0x6f: {  	[dreg:$0xa] =	wrdreg s0;
	s0 =	sshrl.u32 s1, $0x1  }
0x70: {  	s0 =	ssub.s32 s1, s0;
	s1 =	rddreg [dreg:$0xa]  }
0x71: {  	[hbm:s1], [sflag:s5] =	dma.local @!p0 [spmem:s6], $0xFA0  }
0x72: {  	s0 =	smax.u32 s0, $0x1  }
0x73: {  	s1 =	sadd.s32 $0xFFFFFFFF, s0  }
0x74: {  	p1 =	sne.s32 s1, $0x0  }
.Ltmp0:
0x75: {  	_ = 	snop;
	(pc) =	sbr.rel @!p1 .LBB2_2-.Ltmp0, $2  }
0x76: {  	_ =	sdelay $0x2  }
0x77: {  	_ =	swait.ge @!p0 [sflag:s4], $0xFA0  }
.LBB2_1:
0x78: {  	[sflag:s4] =	ssyncset.done @!p0 $0x0  }
0x79: {  	s0 =	rddreg [dreg:$0x3];
	[sflag:s4] =	ssyncadd.s32 @!p0 $0xFFFFF060  }
0x7a: {  	[spmem:s6], [sflag:s5] =	dma.local @!p0 [hbm:s0], $0xFA0  }
0x7b: {  	_ =	swait.ge @!p0 [sflag:s4], $0xFA0  }
0x7c: {  	[sflag:s4] =	ssyncset.done @!p0 $0x0  }
0x7d: {  	s0 =	rddreg [dreg:$0x4];
	[sflag:s4] =	ssyncadd.s32 @!p0 $0xFFFFF060  }
0x7e: {  	[tilespmem:s3], [sflag:$0x5] =	stream.linear.gather [hbm4b:s0+s3], $0x2710, $0x38;
	[tilespmem:$0x19640] =	vst v63  }
0x7f: {  	_ =	swait.ge [sflag:s7], $0x2710  }
0x80: {  	[sflag:s7] =	ssyncset.done $0x0  }
0x81: {  	s0 =	rddreg [dreg:$0x5];
	[sflag:s7] =	ssyncadd.s32 $0xFFFFD8F0  }
0x82: {  	[tilespmem:s8], [sflag:$0x5] =	stream.linear.gather [hbm4b:s0+s3], $0x2710, $0x38;
	[tilespmem:$0x19640] =	vst v63  }
0x83: {  	_ =	swait.ge [sflag:s7], $0x2710  }
0x84: {  	[sflag:s7] =	ssyncset.done $0x0  }
0x85: {  	[sflag:s7] =	ssyncadd.s32 $0xFFFFD8F0  }
0x86: {  	[bflag:$0x0] =	sbarrier.arrive $0xFFFF  }
0x87: {  	[tilespmem:s11], [sflag:$0x1] =	stream.indirect.gather [hbm4b:s9+s10], $0x20, s3, s10, $0xb8;
	[tilespmem:$0x19640] =	vst v63  }
0x88: {  	_ = 	snop  }
0x89: {  	[tilespmem:s12], [sflag:$0x2] =	stream.indirect.gather [hbm4b:s9+s10], $0x20, s10, s10, $0xb8;
	[tilespmem:$0x19640] =	vst v63  }
0x8a: {  	_ =	swait.ge [sflag:s13], $0x7D00  }
0x8b: {  	[sflag:s13] =	ssyncset.done $0x0  }
0x8c: {  	[sflag:s13] =	ssyncadd.s32 $0xFFFF8300  }
0x8d: {  	[spmem:s2] =	stream.indirect.scatter.add.f32 [tilespmem:s11], [sflag:$0x3], $0x20, s8, s10, $0xb8;
	[tilespmem:$0x19640] =	vst v63  }
0x8e: {  	_ =	swait.ge [sflag:s14], $0x7D00  }
0x8f: {  	[sflag:s14] =	ssyncset.done $0x0  }
0x90: {  	s0 =	rddreg [dreg:$0x7];
	[sflag:s14] =	ssyncadd.s32 $0xFFFF8300  }
0x91: {  	[tilespmem:s11], [sflag:$0x1] =	stream.indirect.gather [hbm4b:s9+s10], $0x20, s0, s10, $0xb8;
	[tilespmem:$0x19640] =	vst v63  }
0x92: {  	_ =	swait.ge [sflag:s15], $0x7D00  }
0x93: {  	[sflag:s15] =	ssyncset.done $0x0  }
0x94: {  	s0 =	rddreg [dreg:$0x8];
	[sflag:s15] =	ssyncadd.s32 $0xFFFF8300  }
0x95: {  	[spmem:s2] =	stream.indirect.scatter.add.f32 [tilespmem:s12], [sflag:$0x4], $0x20, s0, s10, $0xb8;
	[tilespmem:$0x19640] =	vst v63  }
0x96: {  	_ =	swait.ge [sflag:s16], $0x7D00  }
0x97: {  	[sflag:s16] =	ssyncset.done $0x0  }
0x98: {  	s0 =	rddreg [dreg:$0x9];
	[sflag:s16] =	ssyncadd.s32 $0xFFFF8300  }
0x99: {  	[tilespmem:s12], [sflag:$0x2] =	stream.indirect.gather [hbm4b:s9+s10], $0x20, s0, s10, $0xb8;
	[tilespmem:$0x19640] =	vst v63  }
0x9a: {  	_ =	swait.ge [sflag:s13], $0x7D00  }
0x9b: {  	[sflag:s13] =	ssyncset.done $0x0  }
0x9c: {  	[sflag:s13] =	ssyncadd.s32 $0xFFFF8300  }
0x9d: {  	[spmem:s2] =	stream.indirect.scatter.add.f32 [tilespmem:s11], [sflag:$0x3], $0x20, s17, s10, $0xb8;
	[tilespmem:$0x19640] =	vst v63  }
0x9e: {  	_ =	swait.ge [sflag:s14], $0x7D00  }
0x9f: {  	[sflag:s14] =	ssyncset.done $0x0  }
0xa0: {  	[sflag:s14] =	ssyncadd.s32 $0xFFFF8300  }
0xa1: {  	[tilespmem:s11], [sflag:$0x1] =	stream.indirect.gather [hbm4b:s9+s10], $0x20, s18, s10, $0xb8;
	[tilespmem:$0x19640] =	vst v63  }
0xa2: {  	_ =	swait.ge [sflag:s15], $0x7D00  }
0xa3: {  	[sflag:s15] =	ssyncset.done $0x0  }
0xa4: {  	[sflag:s15] =	ssyncadd.s32 $0xFFFF8300  }
0xa5: {  	[spmem:s2] =	stream.indirect.scatter.add.f32 [tilespmem:s12], [sflag:$0x4], $0x20, s19, s10, $0xb8;
	[tilespmem:$0x19640] =	vst v63  }
0xa6: {  	_ =	swait.ge [sflag:s16], $0x7D00  }
0xa7: {  	[sflag:s16] =	ssyncset.done $0x0  }
0xa8: {  	[sflag:s16] =	ssyncadd.s32 $0xFFFF8300  }
0xa9: {  	[tilespmem:s12], [sflag:$0x2] =	stream.indirect.gather [hbm4b:s9+s10], $0x20, s20, s10, $0xb8;
	[tilespmem:$0x19640] =	vst v63  }
0xaa: {  	_ =	swait.ge [sflag:s13], $0x7D00  }
0xab: {  	[sflag:s13] =	ssyncset.done $0x0  }
0xac: {  	[sflag:s13] =	ssyncadd.s32 $0xFFFF8300  }
0xad: {  	[spmem:s2] =	stream.indirect.scatter.add.f32 [tilespmem:s11], [sflag:$0x3], $0x20, s21, s10, $0xb8;
	[tilespmem:$0x19640] =	vst v63  }
0xae: {  	_ =	swait.ge [sflag:s14], $0x7D00  }
0xaf: {  	[sflag:s14] =	ssyncset.done $0x0  }
0xb0: {  	[sflag:s14] =	ssyncadd.s32 $0xFFFF8300  }
0xb1: {  	[tilespmem:s11], [sflag:$0x1] =	stream.indirect.gather [hbm4b:s9+s10], $0x20, s22, s10, $0xb8;
	[tilespmem:$0x19640] =	vst v63  }
0xb2: {  	_ =	swait.ge [sflag:s15], $0x7D00  }
0xb3: {  	[sflag:s15] =	ssyncset.done $0x0  }
0xb4: {  	[sflag:s15] =	ssyncadd.s32 $0xFFFF8300  }
0xb5: {  	[spmem:s2] =	stream.indirect.scatter.add.f32 [tilespmem:s12], [sflag:$0x4], $0x20, s23, s10, $0xb8;
	[tilespmem:$0x19640] =	vst v63  }
0xb6: {  	_ =	swait.ge [sflag:s16], $0x7D00  }
0xb7: {  	[sflag:s16] =	ssyncset.done $0x0  }
0xb8: {  	[sflag:s16] =	ssyncadd.s32 $0xFFFF8300  }
0xb9: {  	[tilespmem:s12], [sflag:$0x2] =	stream.indirect.gather [hbm4b:s9+s10], $0x20, s24, s10, $0xb8;
	[tilespmem:$0x19640] =	vst v63  }
0xba: {  	_ =	swait.ge [sflag:s13], $0x7D00  }
0xbb: {  	[sflag:s13] =	ssyncset.done $0x0  }
0xbc: {  	[sflag:s13] =	ssyncadd.s32 $0xFFFF8300  }
0xbd: {  	[spmem:s2] =	stream.indirect.scatter.add.f32 [tilespmem:s11], [sflag:$0x3], $0x20, s25, s10, $0xb8;
	[tilespmem:$0x19640] =	vst v63  }
0xbe: {  	_ =	swait.ge [sflag:s14], $0x7D00  }
0xbf: {  	[sflag:s14] =	ssyncset.done $0x0  }
0xc0: {  	[sflag:s14] =	ssyncadd.s32 $0xFFFF8300  }
0xc1: {  	[tilespmem:s11], [sflag:$0x1] =	stream.indirect.gather [hbm4b:s9+s10], $0x20, s26, s10, $0xb8;
	[tilespmem:$0x19640] =	vst v63  }
0xc2: {  	_ =	swait.ge [sflag:s15], $0x7D00  }
0xc3: {  	[sflag:s15] =	ssyncset.done $0x0  }
0xc4: {  	[sflag:s15] =	ssyncadd.s32 $0xFFFF8300  }
0xc5: {  	[spmem:s2] =	stream.indirect.scatter.add.f32 [tilespmem:s12], [sflag:$0x4], $0x20, s28, s10, $0xb8;
	[tilespmem:$0x19640] =	vst v63  }
0xc6: {  	_ =	swait.ge [sflag:s16], $0x7D00  }
0xc7: {  	[sflag:s16] =	ssyncset.done $0x0  }
0xc8: {  	[sflag:s16] =	ssyncadd.s32 $0xFFFF8300  }
0xc9: {  	[tilespmem:s12], [sflag:$0x2] =	stream.indirect.gather [hbm4b:s9+s10], $0x20, s29, s10, $0xb8;
	[tilespmem:$0x19640] =	vst v63  }
0xca: {  	_ =	swait.ge [sflag:s13], $0x7D00  }
0xcb: {  	[sflag:s13] =	ssyncset.done $0x0  }
0xcc: {  	[sflag:s13] =	ssyncadd.s32 $0xFFFF8300  }
0xcd: {  	[spmem:s2] =	stream.indirect.scatter.add.f32 [tilespmem:s11], [sflag:$0x3], $0x20, s30, s10, $0xb8;
	[tilespmem:$0x19640] =	vst v63  }
0xce: {  	_ =	swait.ge [sflag:s15], $0x7D00  }
0xcf: {  	[sflag:s15] =	ssyncset.done $0x0  }
0xd0: {  	[sflag:s15] =	ssyncadd.s32 $0xFFFF8300  }
0xd1: {  	[spmem:s2] =	stream.indirect.scatter.add.f32 [tilespmem:s12], [sflag:$0x4], $0x20, s31, s10, $0xb8;
	[tilespmem:$0x19640] =	vst v63  }
0xd2: {  	_ =	swait.ge [sflag:s14], $0x7D00  }
0xd3: {  	[sflag:s14] =	ssyncset.done $0x0  }
0xd4: {  	[sflag:s14] =	ssyncadd.s32 $0xFFFF8300  }
0xd5: {  	s1 =	sadd.s32 $0xFFFFFFFF, s1;
	_ =	swait.ge [sflag:s16], $0x7D00  }
0xd6: {  	p1 =	sne.s32 s1, $0x0;
	[sflag:s16] =	ssyncset.done $0x0  }
.Ltmp1:
0xd7: {  	[sflag:s16] =	ssyncadd.s32 $0xFFFF8300;
	(pc) =	sbr.rel @p1 .LBB2_1-.Ltmp1, $4  }
0xd8: {  	[bflag:$0x0] =	sbarrier.arrive $0xFFFF  }
0xd9: {  	s0 =	rddreg [dreg:$0x6]  }
0xda: {  	[hbm:s0], [sflag:s5] =	dma.local @!p0 [spmem:s6], $0xFA0  }
0xdb: {  	_ =	swait.ge @!p0 [sflag:s4], $0xFA0  }
.LBB2_2:
0xdc: {  	[sflag:s4] =	ssyncset.done @!p0 $0x0  }
0xdd: {  	[sflag:s4] =	ssyncadd.s32 @!p0 $0xFFFFF060  }
0xde: {  	_ =	sfence.sel $0x180000  }
0xdf: {  	[bflag:$0x0] =	sbarrier.arrive $0xFFFF  }
0xe0: {  	_ =	strace $0x9000004A  }
0xe1: {  	s0 =	stileid.u32;
	[bflag:$0x2] =	sbarrier.arrive $0xFFFF  }
0xe2: {  	p0 =	sne.s32 s0, $0x0;
	s0 =	rddreg [dreg:$0x2]  }
0xe3: {  	s0 =	sadd.s32 @!p0 $0x100000, s0  }
0xe4: {  	[sflag:s0] =	ssyncadd.tile.s32 @!p0 $0x1;
	_ =	shalt  }
.Lfunc_end2:
_tile_overlayer_lowered:
.L_overlay_start_2:
0xe5: {  	(tag) =	ssettag $0x2  }
0xe6: {  	s0 =	rddreg [dreg:$0x0];
	s2 =	stileid.u32  }
0xe7: {  	s1 =	rddreg [dreg:$0x1];
	p0 =	sne.s32 s2, $0x0  }
0xe8: {  	s3 =	rddreg [dreg:$0x2];
	[bflag:$0x3] =	sbarrier.arrive $0xFFFF;
	s2 =	simm.s32 @!p0 $0x1C05  }
0xe9: {  	[timem:s3], [sflag:s2] =	dma.local @!p0 [hbm:s0], s1  }
0xea: {  	s0 =	simm.s32 @!p0 $0x5  }
0xeb: {  	_ =	swait.ge @!p0 [sflag:s0], s1  }
0xec: {  	s1 =	ssub.s32 @!p0 $0x0, s1;
	[sflag:s0] =	ssyncset.done @!p0 $0x0  }
0xed: {  	[sflag:s0] =	ssyncadd.s32 @!p0 s1  }
0xee: {  	[bflag:$0x3] =	sbarrier.arrive $0xFFFF  }
0xef: {  	_ =	shalt  }

// kernel: kernel.14.cloned.1.call-start
scs
__scs_entry_jumppad:
0x0: {  	(pc) =	sbr.rel $0x88, $3  }
0x1: {  	(tag) =	ssettag $0x0;
	lr =	simm.s32 $0x1  }
0x2: {  	[smem:$0x3F96] =	sst lr;
	_ =	strace $0xD0000000  }
0x3: {  	_ = 	snop  }
0x4: {  	_ = 	snop  }
0x5: {  	_ = 	snop  }
0x6: {  	_ = 	snop  }
0x7: {  	_ = 	snop  }
__scs_overlays_trampoline_lowered:
0x8: {  	[smem:$0x3FA5] =	sst s0  }
0x9: {  	[smem:$0x3FA6] =	sst s1  }
0xa: {  	[smem:$0x3FA7] =	sst s2  }
0xb: {  	[smem:$0x3FA8] =	sst s3  }
0xc: {  	[smem:$0x3FA9] =	sst s4  }
0xd: {  	[smem:$0x3FAA] =	sst s5  }
0xe: {  	[smem:$0x3FAB] =	sst s6  }
0xf: {  	[smem:$0x3FAC] =	sst s7  }
0x10: {  	[smem:$0x3FAD] =	sst s8  }
0x11: {  	[smem:$0x3FAE] =	sst s9;
	s0 =	simm.s32 @!p0 $0x0  }
0x12: {  	s1 =	sld [smem:$0x3F94];
	s0 =	simm.s32 @p0 $0x1  }
0x13: {  	[smem:$0x3FAF] =	sst s0;
	s0 =	simm.s32 @!p1 $0x0  }
0x14: {  	s2 =	sld [smem:$0x3F93];
	s0 =	simm.s32 @p1 $0x1  }
0x15: {  	[smem:$0x3FB0] =	sst s0;
	s0 =	simm.s32 @!p2 $0x0  }
0x16: {  	s3 =	sld [smem:$0x3FDB];
	s0 =	simm.s32 @p2 $0x1  }
0x17: {  	s4 =	simm.s32 $0x1BF5;
	[smem:$0x3FB2] =	sst s0  }
0x18: {  	s0 =	sld [smem:$0x3F95];
	_ =	swait.ge [sflag:s4], $0x0  }
0x19: {  	s7 =	sld [smem:$0x3F96]  }
0x1a: {  	s8 =	sadd.s32 $0xFFFFE003, lr  }
0x1b: {  	s9 =	sadd.s32 $0xFFFFFEF7, lr;
	s5 =	simm.s32 $0xFFFFFFFF;
	p2 =	slt.u32 s8, $0xFFFFF086  }
0x1c: {  	p1 =	slt.u32 s9, $0xF7A;
	s5 =	simm.s32 @!p2 $0x0  }
0x1d: {  	s5 =	simm.s32 @p1 $0x1;
	p0 =	seq.s32 s7, s2  }
0x1e: {  	s7 =	smul.u32 @!p0 $0xF7A, s2;
	p2 =	seq.s32 @!p0 s5, $0x0  }
0x1f: {  	s9 =	smul.u32 $0xF7A, s1;
	s8 =	simm.s32 @!p0 $0x1BF5;
	p2 =	por !p2, p0  }
0x20: {  	[sflag:s8] =	ssyncset.s32 @!p0 $0xFFFFF086;
	s6 =	sadd.s32 @!p0 s3, s7;
	s7 =	simm.s32 @!p0 $0x108  }
0x21: {  	s3 =	sadd.s32 s3, s9;
	s6 =	sadd.s32 @!p0 $0x88, s6;
	s7 =	simm.s32 @p2 $0x1082  }
0x22: {  	[simem:s7], [sflag:s8] =	dma.local @!p0 [hbm:s6], $0xF7A  }
0x23: {  	s9 =	sor.u32 $0xD0000000, s2;
	s6 =	simm.s32 $0x108;
	_ =	swait.ge @!p0 [sflag:s8], $0x0  }
0x24: {  	s3 =	sadd.s32 $0x88, s3;
	s6 =	simm.s32 @!p1 $0x1082;
	[sflag:s4] =	ssyncset.s32 $0xFFFFF086  }
0x25: {  	[simem:s6], [sflag:s4] =	dma.local [hbm:s3], $0xF7A  }
0x26: {  	[smem:$0x3F96] =	sst s1;
	(tag) =	ssettag s2;
	_ =	strace s9  }
0x27: {  	s1 =	sld [smem:$0x3FA6]  }
0x28: {  	s2 =	sld [smem:$0x3FA7]  }
0x29: {  	s4 =	sld [smem:$0x3FA9]  }
0x2a: {  	p0 =	seq.s32 s5, $0x0;
	s5 =	sld [smem:$0x3FAA]  }
0x2b: {  	s6 =	sld [smem:$0x3FAB]  }
0x2c: {  	s7 =	sld [smem:$0x3FAC]  }
0x2d: {  	s3 =	simm.s32 $0x108;
	s8 =	sld [smem:$0x3FAD]  }
0x2e: {  	s3 =	simm.s32 @!p0 $0x1082;
	s9 =	sld [smem:$0x3FAE]  }
0x2f: {  	lr =	sadd.s32 s0, s3;
	s0 =	sld [smem:$0x3FA5]  }
0x30: {  	s3 =	sld [smem:$0x3FA8]  }
0x31: {  	[smem:$0x3FB1] =	sst s10  }
0x32: {  	s10 =	sld [smem:$0x3FAF];
	_ =	sdelay $0x3  }
0x33: {  	p0 =	seq.s32 s10, $0x1;
	s10 =	sld [smem:$0x3FB1];
	_ =	sdelay $0x3  }
0x34: {  	[smem:$0x3FB1] =	sst s10  }
0x35: {  	s10 =	sld [smem:$0x3FB0];
	_ =	sdelay $0x3  }
0x36: {  	p1 =	seq.s32 s10, $0x1;
	s10 =	sld [smem:$0x3FB1];
	_ =	sdelay $0x3  }
0x37: {  	[smem:$0x3FB1] =	sst s10  }
0x38: {  	s10 =	sld [smem:$0x3FB2]  }
0x39: {  	_ = 	snop;
	(pc) =	sbr.ind lr, $3  }
0x3a: {  	_ = 	snop  }
0x3b: {  	_ = 	snop  }
0x3c: {  	p2 =	seq.s32 s10, $0x1;
	s10 =	sld [smem:$0x3FB1]  }
0x3d: {  	_ =	shalt  }
0x3e: {  	_ =	shalt  }
0x3f: {  	_ =	shalt  }
0x40: {  	_ =	shalt  }
0x41: {  	_ =	shalt  }
0x42: {  	_ =	shalt  }
0x43: {  	_ =	shalt  }
0x44: {  	_ =	shalt  }
0x45: {  	_ =	shalt  }
0x46: {  	_ =	shalt  }
0x47: {  	_ =	shalt  }
0x48: {  	_ =	shalt  }
0x49: {  	_ =	shalt  }
0x4a: {  	_ =	shalt  }
0x4b: {  	_ =	shalt  }
0x4c: {  	_ =	shalt  }
0x4d: {  	_ =	shalt  }
0x4e: {  	_ =	shalt  }
0x4f: {  	_ =	shalt  }
0x50: {  	_ =	shalt  }
0x51: {  	_ =	shalt  }
0x52: {  	_ =	shalt  }
0x53: {  	_ =	shalt  }
0x54: {  	_ =	shalt  }
0x55: {  	_ =	shalt  }
0x56: {  	_ =	shalt  }
0x57: {  	_ =	shalt  }
0x58: {  	_ =	shalt  }
0x59: {  	_ =	shalt  }
0x5a: {  	_ =	shalt  }
0x5b: {  	_ =	shalt  }
0x5c: {  	_ =	shalt  }
0x5d: {  	_ =	shalt  }
0x5e: {  	_ =	shalt  }
0x5f: {  	_ =	shalt  }
0x60: {  	_ =	shalt  }
0x61: {  	_ =	shalt  }
0x62: {  	_ =	shalt  }
0x63: {  	_ =	shalt  }
0x64: {  	_ =	shalt  }
0x65: {  	_ =	shalt  }
0x66: {  	_ =	shalt  }
0x67: {  	_ =	shalt  }
0x68: {  	_ =	shalt  }
0x69: {  	_ =	shalt  }
0x6a: {  	_ =	shalt  }
0x6b: {  	_ =	shalt  }
0x6c: {  	_ =	shalt  }
0x6d: {  	_ =	shalt  }
0x6e: {  	_ =	shalt  }
0x6f: {  	_ =	shalt  }
0x70: {  	_ =	shalt  }
0x71: {  	_ =	shalt  }
0x72: {  	_ =	shalt  }
0x73: {  	_ =	shalt  }
0x74: {  	_ =	shalt  }
0x75: {  	_ =	shalt  }
0x76: {  	_ =	shalt  }
0x77: {  	_ =	shalt  }
0x78: {  	_ =	shalt  }
0x79: {  	_ =	shalt  }
0x7a: {  	_ =	shalt  }
0x7b: {  	_ =	shalt  }
0x7c: {  	_ =	shalt  }
0x7d: {  	_ =	shalt  }
0x7e: {  	_ =	shalt  }
0x7f: {  	_ =	shalt  }
0x80: {  	_ =	shalt  }
0x81: {  	_ =	shalt  }
0x82: {  	_ =	shalt  }
0x83: {  	_ =	shalt  }
0x84: {  	_ =	shalt  }
0x85: {  	_ =	shalt  }
0x86: {  	_ =	shalt  }
0x87: {  	_ =	shalt  }
.Lfunc_end0:
.L_simem_size_0:
called_computation.2_lowered:
.L_overlay_start_0:
0x88: {  	s2 =	sld [smem:$0x3FD9]  }
0x89: {  	s3 =	sld [smem:$0x3FFE];
	_ =	sdelay $0x1  }
0x8a: {  	s1 =	srdreg.scid  }
0x8b: {  	s0 =	sand.u32 $0x1, s1  }
0x8c: {  	s17 =	sshll.u32 s0, $0xA;
	s2 =	sadd.s32 s3, s2  }
0x8d: {  	s2 =	sadd.s32 s2, s17  }
0x8e: {  	[smem:$0x3FBD] =	sst s2  }
0x8f: {  	_ = 	snop  }
0x90: {  	s2 =	sld [smem:$0x3FD0];
	(tm) =	ssettm $0x1  }
0x91: {  	s18 =	sld [smem:$0x3FFB];
	_ =	sdelay $0x3  }
0x92: {  	_ =	strace s18  }
0x93: {  	s3 =	sld [smem:$0x3FFC];
	_ =	sdelay $0x3  }
0x94: {  	_ =	strace s3  }
0x95: {  	s3 =	sld [smem:$0x3FFD];
	_ =	sdelay $0x3  }
0x96: {  	_ =	strace s3  }
0x97: {  	_ =	strace $0x8FFFFFFF  }
0x98: {  	s19 =	sld [smem:$0x3FDB];
	_ =	sdelay $0x1  }
0x99: {  	s4 =	simm.s32 $_scs_section_size  }
0x9a: {  	s5 =	simm.s32 $_size__tile_overlayer_lowered;
	s6 =	simm.s32 $_tile_overlayer_lowered  }
0x9b: {  	s22 =	simm.s32 $0x1BFF;
	s21 =	sshll.u32 s6, $0x1;
	s3 =	sadd.s32 s4, s19  }
0x9c: {  	s7 =	simm.s32 $0x0;
	s20 =	sshll.u32 s5, $0x1;
	s5 =	sadd.s32 s21, s3  }
0x9d: {  	[timem:s7], [sflag:s22] =	dma.local [hbm:s5], s20  }
0x9e: {  	_ =	swait.ge [sflag:s22], s20  }
0x9f: {  	s4 =	ssub.s32 $0x0, s20;
	[sflag:s22] =	ssyncset.done $0x0  }
0xa0: {  	[sflag:s22] =	ssyncadd.s32 s4;
	_ =	sdelay $0x1  }
0xa1: {  	s23 =	simm.s32 $0x1B8B  }
0xa2: {  	_ =	swait.ge [sflag:s23], $0x1  }
0xa3: {  	[sflag:s23] =	ssyncset.done $0x0  }
0xa4: {  	s25 =	simm.s32 $0x1B8E;
	s24 =	sld [smem:$0x3FFE];
	[sflag:s23] =	ssyncadd.s32 $0xFFFFFFFF  }
0xa5: {  	s26 =	simm.s32 $execute0_lowered;
	[smem:$0x3FD2] =	sst s25  }
0xa6: {  	s5 =	sshll.u32 s26, $0x1;
	_ =	strace $0x8000004C;
	[dreg:$0x1] =	wrdreg $0xFFFFFFFF  }
0xa7: {  	s28 =	simm.s32 $_size_execute0_lowered;
	s3 =	sadd.s32 s3, s5;
	[dreg:$0x0] =	wrdreg $0x0  }
0xa8: {  	s5 =	sshll.u32 s28, $0x1;
	[dreg:$0x2] =	wrdreg s3  }
0xa9: {  	[dreg:$0x3] =	wrdreg s5  }
0xaa: {  	[dreg:$0x4] =	wrdreg $0xC0  }
0xab: {  	_ =	task [dreg:s7], $0x5FFFF  }
0xac: {  	[dreg:$0x1] =	wrdreg $0xFFFFFFFF  }
0xad: {  	[dreg:$0x0] =	wrdreg $0x60  }
0xae: {  	[dreg:$0x2] =	wrdreg s24  }
0xaf: {  	[dreg:$0x3] =	wrdreg s2  }
0xb0: {  	[dreg:$0x4] =	wrdreg $0x8CA00  }
0xb1: {  	[dreg:$0x5] =	wrdreg $0x9  }
0xb2: {  	_ =	task.clear_ibuf [dreg:s7], $0x6FFFF;
	_ =	strace $0x9000004C  }
0xb3: {  	s29 =	simm.s32 $0x9;
	_ =	strace $0x8000004E  }
0xb4: {  	_ =	swait.ge [sflag:s29], $0x1  }
0xb5: {  	[sflag:s29] =	ssyncadd.s32 $0xFFFFFFFF  }
0xb6: {  	_ =	strace $0x9000004E  }
0xb7: {  	_ =	sfence  }
0xb8: {  	s30 =	sld [smem:$0x0];
	_ =	sdelay $0x2  }
0xb9: {  	s31 =	sshll.u32 s1, $0xD;
	s1 =	sshrl.u32 s1, $0x2  }
0xba: {  	s3 =	sand.u32 $0x4000, s31;
	s1 =	sadd.s32 s1, s30  }
0xbb: {  	s0 =	sor.u32 s3, s0;
	s1 =	sshll.u32 s1, $0x11  }
0xbc: {  	s0 =	sor.u32 s1, s0  }
0xbd: {  	s0 =	sadd.s32 $0x8F2B, s0  }
0xbe: {  	[sflag:s0] =	ssyncadd.remote.s32 $0x1  }
0xbf: {  	_ =	sfence.sel $0xFFFF  }
0xc0: {  	[dreg:$0x0] =	wrdreg $0xFFFFFFFF;
	(pc) =	sbr.abs _section_cstart, $3  }
0xc1: {  	[dreg:$0x1] =	wrdreg $0xFFFFFFFF  }
0xc2: {  	_ =	task.clear_ibuf [dreg:s7], $0x2FFFF;
	_ =	strace $0x9FFFFFFF  }
0xc3: {  	(tm) =	ssettm $0x7FFFFFFF  }
tec
execute0_lowered:
.L_overlay_start_1:
0x0: {  	(tag) =	ssettag $0x1  }
0x1: {  	s1 =	srdreg.scid;
	s9 =	rddreg [dreg:$0x0]  }
0x2: {  	s0 =	stileid.u32;
	s4 =	rddreg [dreg:$0x1]  }
0x3: {  	s1 =	sand.u32 $0x1, s1;
	s2 =	sshll.u32 s0, $0x1;
	s6 =	smul.u32 $0x1F40, s0  }
0x4: {  	s22 =	simm.s32 $0x7D0;
	s3 =	sor.u32 s1, s2;
	s2 =	rddreg [dreg:$0x2]  }
0x5: {  	s5 =	smul.u32 $0x4E2, s3;
	s3 =	simm.s32 $0x0;
	s8 =	sshrl.u32 s6, $0x3  }
0x6: {  	s23 =	simm.s32 $0x2AF8;
	[smem:$0x7FF] =	sst s3;
	s4 =	sadd.s32 s4, s8  }
0x7: {  	s7 =	smul.u32 $0x13880, s1;
	_ =	strace $0x8000004D;
	[dreg:$0x4] =	wrdreg s4  }
0x8: {  	s24 =	simm.s32 $0xBB8;
	p0 =	sgt.u32 s0, $0x9;
	[dreg:$0x8] =	wrdreg s22  }
0x9: {  	s7 =	sadd.s32 s6, s7;
	s6 =	sadd.s32 s6, s2;
	[dreg:$0x9] =	wrdreg s23  }
0xa: {  	s5 =	sadd.s32 s5, s9;
	s7 =	sshrl.u32 s7, $0x3;
	[dreg:$0xa] =	wrdreg s24  }
0xb: {  	s4 =	sshll.u32 @!p0 s0, $0x6;
	s19 =	sadd.s32 $0xC400, s5;
	s8 =	rddreg [dreg:$0x4]  }
0xc: {  	s7 =	sadd.s32 s7, s9;
	s20 =	sadd.s32 $0x2600, s5;
	[dreg:$0x5] =	wrdreg s19  }
0xd: {  	s6 =	sshrl.u32 @!p0 s6, $0x3;
	[dreg:$0x6] =	wrdreg s20;
	s21 =	sadd.s32 $0x18A00, s7  }
0xe: {  	s5 =	sor.u32 @!p0 $0x1C05, s4;
	s4 =	simm.s32 @!p0 $0x5;
	[dreg:$0x7] =	wrdreg s21  }
0xf: {  	[spmem:s6], [sflag:s5] =	dma.local @!p0 [hbm:s8], $0x3E8  }
0x10: {  	_ =	swait.ge @!p0 [sflag:s4], $0x3E8  }
0x11: {  	[sflag:s4] =	ssyncset.done @!p0 $0x0  }
0x12: {  	s7 =	simm.s32 $0x5;
	s25 =	rddreg [dreg:$0x5];
	[sflag:s4] =	ssyncadd.s32 @!p0 $0xFFFFFC18  }
0x13: {  	[tilespmem:s3], [sflag:$0x5] =	stream.linear.gather [hbm4b:s25+s3], $0x2710, $0x38;
	[tilespmem:$0xA028] =	vst v63  }
0x14: {  	_ =	swait.ge [sflag:s7], $0x2710  }
0x15: {  	[sflag:s7] =	ssyncset.done $0x0  }
0x16: {  	s8 =	simm.s32 $0x2710;
	s10 =	rddreg [dreg:$0x6];
	[sflag:s7] =	ssyncadd.s32 $0xFFFFD8F0  }
0x17: {  	[tilespmem:s8], [sflag:$0x5] =	stream.linear.gather [hbm4b:s10+s3], $0x2710, $0x38;
	[tilespmem:$0xA028] =	vst v63  }
0x18: {  	_ =	swait.ge [sflag:s7], $0x2710  }
0x19: {  	[sflag:s7] =	ssyncset.done $0x0  }
0x1a: {  	s11 =	simm.s32 $0x4E20;
	[sflag:s7] =	ssyncadd.s32 $0xFFFFD8F0  }
0x1b: {  	s9 =	sadd.s32 $0x16200, s9;
	s10 =	simm.s32 $0x3E8;
	[bflag:$0x0] =	sbarrier.arrive $0xFFFF  }
0x1c: {  	[tilespmem:s11], [sflag:$0x1] =	stream.indirect.gather [hbm4b:s9+s10], $0x8, s3, s10, $0xb8;
	[tilespmem:$0xA028] =	vst v63  }
0x1d: {  	s12 =	simm.s32 $0x6D60;
	s13 =	simm.s32 $0x1  }
0x1e: {  	[tilespmem:s12], [sflag:$0x2] =	stream.indirect.gather [hbm4b:s9+s10], $0x8, s10, s10, $0xb8;
	[tilespmem:$0xA028] =	vst v63  }
0x1f: {  	_ =	swait.ge [sflag:s13], $0x1F40  }
0x20: {  	[sflag:s13] =	ssyncset.done $0x0  }
0x21: {  	s14 =	simm.s32 $0x3;
	[sflag:s13] =	ssyncadd.s32 $0xFFFFE0C0  }
0x22: {  	[spmem:s2] =	stream.indirect.scatter.add.f32 [tilespmem:s11], [sflag:$0x3], $0x8, s8, s10, $0xb8;
	[tilespmem:$0xA028] =	vst v63  }
0x23: {  	_ =	swait.ge [sflag:s14], $0x1F40  }
0x24: {  	[sflag:s14] =	ssyncset.done $0x0  }
0x25: {  	s15 =	simm.s32 $0x2;
	s16 =	rddreg [dreg:$0x8];
	[sflag:s14] =	ssyncadd.s32 $0xFFFFE0C0  }
0x26: {  	[tilespmem:s11], [sflag:$0x1] =	stream.indirect.gather [hbm4b:s9+s10], $0x8, s16, s10, $0xb8;
	[tilespmem:$0xA028] =	vst v63  }
0x27: {  	_ =	swait.ge [sflag:s15], $0x1F40  }
0x28: {  	[sflag:s15] =	ssyncset.done $0x0  }
0x29: {  	s16 =	simm.s32 $0x4;
	s17 =	rddreg [dreg:$0x9];
	[sflag:s15] =	ssyncadd.s32 $0xFFFFE0C0  }
0x2a: {  	[spmem:s2] =	stream.indirect.scatter.add.f32 [tilespmem:s12], [sflag:$0x4], $0x8, s17, s10, $0xb8;
	[tilespmem:$0xA028] =	vst v63  }
0x2b: {  	_ =	swait.ge [sflag:s16], $0x1F40  }
0x2c: {  	[sflag:s16] =	ssyncset.done $0x0  }
0x2d: {  	s26 =	rddreg [dreg:$0xa];
	[sflag:s16] =	ssyncadd.s32 $0xFFFFE0C0  }
0x2e: {  	[tilespmem:s12], [sflag:$0x2] =	stream.indirect.gather [hbm4b:s9+s10], $0x8, s26, s10, $0xb8;
	[tilespmem:$0xA028] =	vst v63  }
0x2f: {  	_ =	swait.ge [sflag:s13], $0x1F40  }
0x30: {  	[sflag:s13] =	ssyncset.done $0x0  }
0x31: {  	s17 =	simm.s32 $0x2EE0;
	[sflag:s13] =	ssyncadd.s32 $0xFFFFE0C0  }
0x32: {  	[spmem:s2] =	stream.indirect.scatter.add.f32 [tilespmem:s11], [sflag:$0x3], $0x8, s17, s10, $0xb8;
	[tilespmem:$0xA028] =	vst v63  }
0x33: {  	_ =	swait.ge [sflag:s14], $0x1F40  }
0x34: {  	[sflag:s14] =	ssyncset.done $0x0  }
0x35: {  	s18 =	simm.s32 $0xFA0;
	[sflag:s14] =	ssyncadd.s32 $0xFFFFE0C0  }
0x36: {  	[tilespmem:s11], [sflag:$0x1] =	stream.indirect.gather [hbm4b:s9+s10], $0x8, s18, s10, $0xb8;
	[tilespmem:$0xA028] =	vst v63  }
0x37: {  	_ =	swait.ge [sflag:s15], $0x1F40  }
0x38: {  	[sflag:s15] =	ssyncset.done $0x0  }
0x39: {  	s19 =	simm.s32 $0x32C8;
	[sflag:s15] =	ssyncadd.s32 $0xFFFFE0C0  }
0x3a: {  	[spmem:s2] =	stream.indirect.scatter.add.f32 [tilespmem:s12], [sflag:$0x4], $0x8, s19, s10, $0xb8;
	[tilespmem:$0xA028] =	vst v63  }
0x3b: {  	_ =	swait.ge [sflag:s16], $0x1F40  }
0x3c: {  	[sflag:s16] =	ssyncset.done $0x0  }
0x3d: {  	s20 =	simm.s32 $0x1388;
	[sflag:s16] =	ssyncadd.s32 $0xFFFFE0C0  }
0x3e: {  	[tilespmem:s12], [sflag:$0x2] =	stream.indirect.gather [hbm4b:s9+s10], $0x8, s20, s10, $0xb8;
	[tilespmem:$0xA028] =	vst v63  }
0x3f: {  	_ =	swait.ge [sflag:s13], $0x1F40  }
0x40: {  	[sflag:s13] =	ssyncset.done $0x0  }
0x41: {  	s21 =	simm.s32 $0x36B0;
	[sflag:s13] =	ssyncadd.s32 $0xFFFFE0C0  }
0x42: {  	[spmem:s2] =	stream.indirect.scatter.add.f32 [tilespmem:s11], [sflag:$0x3], $0x8, s21, s10, $0xb8;
	[tilespmem:$0xA028] =	vst v63  }
0x43: {  	_ =	swait.ge [sflag:s14], $0x1F40  }
0x44: {  	[sflag:s14] =	ssyncset.done $0x0  }
0x45: {  	s22 =	simm.s32 $0x1770;
	[sflag:s14] =	ssyncadd.s32 $0xFFFFE0C0  }
0x46: {  	[tilespmem:s11], [sflag:$0x1] =	stream.indirect.gather [hbm4b:s9+s10], $0x8, s22, s10, $0xb8;
	[tilespmem:$0xA028] =	vst v63  }
0x47: {  	_ =	swait.ge [sflag:s15], $0x1F40  }
0x48: {  	[sflag:s15] =	ssyncset.done $0x0  }
0x49: {  	s23 =	simm.s32 $0x3A98;
	[sflag:s15] =	ssyncadd.s32 $0xFFFFE0C0  }
0x4a: {  	[spmem:s2] =	stream.indirect.scatter.add.f32 [tilespmem:s12], [sflag:$0x4], $0x8, s23, s10, $0xb8;
	[tilespmem:$0xA028] =	vst v63  }
0x4b: {  	_ =	swait.ge [sflag:s16], $0x1F40  }
0x4c: {  	[sflag:s16] =	ssyncset.done $0x0  }
0x4d: {  	s24 =	simm.s32 $0x1B58;
	[sflag:s16] =	ssyncadd.s32 $0xFFFFE0C0  }
0x4e: {  	[tilespmem:s12], [sflag:$0x2] =	stream.indirect.gather [hbm4b:s9+s10], $0x8, s24, s10, $0xb8;
	[tilespmem:$0xA028] =	vst v63  }
0x4f: {  	_ =	swait.ge [sflag:s13], $0x1F40  }
0x50: {  	[sflag:s13] =	ssyncset.done $0x0  }
0x51: {  	s25 =	simm.s32 $0x3E80;
	[sflag:s13] =	ssyncadd.s32 $0xFFFFE0C0  }
0x52: {  	[spmem:s2] =	stream.indirect.scatter.add.f32 [tilespmem:s11], [sflag:$0x3], $0x8, s25, s10, $0xb8;
	[tilespmem:$0xA028] =	vst v63  }
0x53: {  	_ =	swait.ge [sflag:s14], $0x1F40  }
0x54: {  	[sflag:s14] =	ssyncset.done $0x0  }
0x55: {  	s26 =	simm.s32 $0x1F40;
	[sflag:s14] =	ssyncadd.s32 $0xFFFFE0C0  }
0x56: {  	[tilespmem:s11], [sflag:$0x1] =	stream.indirect.gather [hbm4b:s9+s10], $0x8, s26, s10, $0xb8;
	[tilespmem:$0xA028] =	vst v63  }
0x57: {  	_ =	swait.ge [sflag:s15], $0x1F40  }
0x58: {  	[sflag:s15] =	ssyncset.done $0x0  }
0x59: {  	s28 =	simm.s32 $0x4268;
	[sflag:s15] =	ssyncadd.s32 $0xFFFFE0C0  }
0x5a: {  	[spmem:s2] =	stream.indirect.scatter.add.f32 [tilespmem:s12], [sflag:$0x4], $0x8, s28, s10, $0xb8;
	[tilespmem:$0xA028] =	vst v63  }
0x5b: {  	_ =	swait.ge [sflag:s16], $0x1F40  }
0x5c: {  	[sflag:s16] =	ssyncset.done $0x0  }
0x5d: {  	s29 =	simm.s32 $0x2328;
	[sflag:s16] =	ssyncadd.s32 $0xFFFFE0C0  }
0x5e: {  	[tilespmem:s12], [sflag:$0x2] =	stream.indirect.gather [hbm4b:s9+s10], $0x8, s29, s10, $0xb8;
	[tilespmem:$0xA028] =	vst v63  }
0x5f: {  	_ =	swait.ge [sflag:s13], $0x1F40  }
0x60: {  	[sflag:s13] =	ssyncset.done $0x0  }
0x61: {  	s30 =	simm.s32 $0x4650;
	[sflag:s13] =	ssyncadd.s32 $0xFFFFE0C0  }
0x62: {  	[spmem:s2] =	stream.indirect.scatter.add.f32 [tilespmem:s11], [sflag:$0x3], $0x8, s30, s10, $0xb8;
	[tilespmem:$0xA028] =	vst v63  }
0x63: {  	_ =	swait.ge [sflag:s15], $0x1F40  }
0x64: {  	[sflag:s15] =	ssyncset.done $0x0  }
0x65: {  	s31 =	simm.s32 $0x4A38;
	[sflag:s15] =	ssyncadd.s32 $0xFFFFE0C0  }
0x66: {  	[spmem:s2] =	stream.indirect.scatter.add.f32 [tilespmem:s12], [sflag:$0x4], $0x8, s31, s10, $0xb8;
	[tilespmem:$0xA028] =	vst v63  }
0x67: {  	_ =	swait.ge [sflag:s14], $0x1F40  }
0x68: {  	[sflag:s14] =	ssyncset.done $0x0  }
0x69: {  	[sflag:s14] =	ssyncadd.s32 $0xFFFFE0C0  }
0x6a: {  	_ =	swait.ge [sflag:s16], $0x1F40  }
0x6b: {  	[sflag:s16] =	ssyncset.done $0x0  }
0x6c: {  	[sflag:s16] =	ssyncadd.s32 $0xFFFFE0C0  }
0x6d: {  	[bflag:$0x0] =	sbarrier.arrive $0xFFFF  }
0x6e: {  	s1 =	ssub.s32 $0x2, s1;
	s0 =	rddreg [dreg:$0x7]  }
0x6f: {  	[dreg:$0xb] =	wrdreg s0;
	s0 =	sshrl.u32 s1, $0x1  }
0x70: {  	s0 =	ssub.s32 s1, s0;
	s1 =	rddreg [dreg:$0xb]  }
0x71: {  	[hbm:s1], [sflag:s5] =	dma.local @!p0 [spmem:s6], $0x3E8  }
0x72: {  	s0 =	smax.u32 s0, $0x1  }
0x73: {  	s1 =	sadd.s32 $0xFFFFFFFF, s0  }
0x74: {  	p1 =	sne.s32 s1, $0x0  }
.Ltmp0:
0x75: {  	_ = 	snop;
	(pc) =	sbr.rel @!p1 .LBB2_2-.Ltmp0, $2  }
0x76: {  	_ =	sdelay $0x2  }
0x77: {  	_ =	swait.ge @!p0 [sflag:s4], $0x3E8  }
.LBB2_1:
0x78: {  	[sflag:s4] =	ssyncset.done @!p0 $0x0  }
0x79: {  	s0 =	rddreg [dreg:$0x4];
	[sflag:s4] =	ssyncadd.s32 @!p0 $0xFFFFFC18  }
0x7a: {  	[spmem:s6], [sflag:s5] =	dma.local @!p0 [hbm:s0], $0x3E8  }
0x7b: {  	_ =	swait.ge @!p0 [sflag:s4], $0x3E8  }
0x7c: {  	[sflag:s4] =	ssyncset.done @!p0 $0x0  }
0x7d: {  	s0 =	rddreg [dreg:$0x5];
	[sflag:s4] =	ssyncadd.s32 @!p0 $0xFFFFFC18  }
0x7e: {  	[tilespmem:s3], [sflag:$0x5] =	stream.linear.gather [hbm4b:s0+s3], $0x2710, $0x38;
	[tilespmem:$0xA028] =	vst v63  }
0x7f: {  	_ =	swait.ge [sflag:s7], $0x2710  }
0x80: {  	[sflag:s7] =	ssyncset.done $0x0  }
0x81: {  	s0 =	rddreg [dreg:$0x6];
	[sflag:s7] =	ssyncadd.s32 $0xFFFFD8F0  }
0x82: {  	[tilespmem:s8], [sflag:$0x5] =	stream.linear.gather [hbm4b:s0+s3], $0x2710, $0x38;
	[tilespmem:$0xA028] =	vst v63  }
0x83: {  	_ =	swait.ge [sflag:s7], $0x2710  }
0x84: {  	[sflag:s7] =	ssyncset.done $0x0  }
0x85: {  	[sflag:s7] =	ssyncadd.s32 $0xFFFFD8F0  }
0x86: {  	[bflag:$0x0] =	sbarrier.arrive $0xFFFF  }
0x87: {  	[tilespmem:s11], [sflag:$0x1] =	stream.indirect.gather [hbm4b:s9+s10], $0x8, s3, s10, $0xb8;
	[tilespmem:$0xA028] =	vst v63  }
0x88: {  	_ = 	snop  }
0x89: {  	[tilespmem:s12], [sflag:$0x2] =	stream.indirect.gather [hbm4b:s9+s10], $0x8, s10, s10, $0xb8;
	[tilespmem:$0xA028] =	vst v63  }
0x8a: {  	_ =	swait.ge [sflag:s13], $0x1F40  }
0x8b: {  	[sflag:s13] =	ssyncset.done $0x0  }
0x8c: {  	[sflag:s13] =	ssyncadd.s32 $0xFFFFE0C0  }
0x8d: {  	[spmem:s2] =	stream.indirect.scatter.add.f32 [tilespmem:s11], [sflag:$0x3], $0x8, s8, s10, $0xb8;
	[tilespmem:$0xA028] =	vst v63  }
0x8e: {  	_ =	swait.ge [sflag:s14], $0x1F40  }
0x8f: {  	[sflag:s14] =	ssyncset.done $0x0  }
0x90: {  	s0 =	rddreg [dreg:$0x8];
	[sflag:s14] =	ssyncadd.s32 $0xFFFFE0C0  }
0x91: {  	[tilespmem:s11], [sflag:$0x1] =	stream.indirect.gather [hbm4b:s9+s10], $0x8, s0, s10, $0xb8;
	[tilespmem:$0xA028] =	vst v63  }
0x92: {  	_ =	swait.ge [sflag:s15], $0x1F40  }
0x93: {  	[sflag:s15] =	ssyncset.done $0x0  }
0x94: {  	s0 =	rddreg [dreg:$0x9];
	[sflag:s15] =	ssyncadd.s32 $0xFFFFE0C0  }
0x95: {  	[spmem:s2] =	stream.indirect.scatter.add.f32 [tilespmem:s12], [sflag:$0x4], $0x8, s0, s10, $0xb8;
	[tilespmem:$0xA028] =	vst v63  }
0x96: {  	_ =	swait.ge [sflag:s16], $0x1F40  }
0x97: {  	[sflag:s16] =	ssyncset.done $0x0  }
0x98: {  	s0 =	rddreg [dreg:$0xa];
	[sflag:s16] =	ssyncadd.s32 $0xFFFFE0C0  }
0x99: {  	[tilespmem:s12], [sflag:$0x2] =	stream.indirect.gather [hbm4b:s9+s10], $0x8, s0, s10, $0xb8;
	[tilespmem:$0xA028] =	vst v63  }
0x9a: {  	_ =	swait.ge [sflag:s13], $0x1F40  }
0x9b: {  	[sflag:s13] =	ssyncset.done $0x0  }
0x9c: {  	[sflag:s13] =	ssyncadd.s32 $0xFFFFE0C0  }
0x9d: {  	[spmem:s2] =	stream.indirect.scatter.add.f32 [tilespmem:s11], [sflag:$0x3], $0x8, s17, s10, $0xb8;
	[tilespmem:$0xA028] =	vst v63  }
0x9e: {  	_ =	swait.ge [sflag:s14], $0x1F40  }
0x9f: {  	[sflag:s14] =	ssyncset.done $0x0  }
0xa0: {  	[sflag:s14] =	ssyncadd.s32 $0xFFFFE0C0  }
0xa1: {  	[tilespmem:s11], [sflag:$0x1] =	stream.indirect.gather [hbm4b:s9+s10], $0x8, s18, s10, $0xb8;
	[tilespmem:$0xA028] =	vst v63  }
0xa2: {  	_ =	swait.ge [sflag:s15], $0x1F40  }
0xa3: {  	[sflag:s15] =	ssyncset.done $0x0  }
0xa4: {  	[sflag:s15] =	ssyncadd.s32 $0xFFFFE0C0  }
0xa5: {  	[spmem:s2] =	stream.indirect.scatter.add.f32 [tilespmem:s12], [sflag:$0x4], $0x8, s19, s10, $0xb8;
	[tilespmem:$0xA028] =	vst v63  }
0xa6: {  	_ =	swait.ge [sflag:s16], $0x1F40  }
0xa7: {  	[sflag:s16] =	ssyncset.done $0x0  }
0xa8: {  	[sflag:s16] =	ssyncadd.s32 $0xFFFFE0C0  }
0xa9: {  	[tilespmem:s12], [sflag:$0x2] =	stream.indirect.gather [hbm4b:s9+s10], $0x8, s20, s10, $0xb8;
	[tilespmem:$0xA028] =	vst v63  }
0xaa: {  	_ =	swait.ge [sflag:s13], $0x1F40  }
0xab: {  	[sflag:s13] =	ssyncset.done $0x0  }
0xac: {  	[sflag:s13] =	ssyncadd.s32 $0xFFFFE0C0  }
0xad: {  	[spmem:s2] =	stream.indirect.scatter.add.f32 [tilespmem:s11], [sflag:$0x3], $0x8, s21, s10, $0xb8;
	[tilespmem:$0xA028] =	vst v63  }
0xae: {  	_ =	swait.ge [sflag:s14], $0x1F40  }
0xaf: {  	[sflag:s14] =	ssyncset.done $0x0  }
0xb0: {  	[sflag:s14] =	ssyncadd.s32 $0xFFFFE0C0  }
0xb1: {  	[tilespmem:s11], [sflag:$0x1] =	stream.indirect.gather [hbm4b:s9+s10], $0x8, s22, s10, $0xb8;
	[tilespmem:$0xA028] =	vst v63  }
0xb2: {  	_ =	swait.ge [sflag:s15], $0x1F40  }
0xb3: {  	[sflag:s15] =	ssyncset.done $0x0  }
0xb4: {  	[sflag:s15] =	ssyncadd.s32 $0xFFFFE0C0  }
0xb5: {  	[spmem:s2] =	stream.indirect.scatter.add.f32 [tilespmem:s12], [sflag:$0x4], $0x8, s23, s10, $0xb8;
	[tilespmem:$0xA028] =	vst v63  }
0xb6: {  	_ =	swait.ge [sflag:s16], $0x1F40  }
0xb7: {  	[sflag:s16] =	ssyncset.done $0x0  }
0xb8: {  	[sflag:s16] =	ssyncadd.s32 $0xFFFFE0C0  }
0xb9: {  	[tilespmem:s12], [sflag:$0x2] =	stream.indirect.gather [hbm4b:s9+s10], $0x8, s24, s10, $0xb8;
	[tilespmem:$0xA028] =	vst v63  }
0xba: {  	_ =	swait.ge [sflag:s13], $0x1F40  }
0xbb: {  	[sflag:s13] =	ssyncset.done $0x0  }
0xbc: {  	[sflag:s13] =	ssyncadd.s32 $0xFFFFE0C0  }
0xbd: {  	[spmem:s2] =	stream.indirect.scatter.add.f32 [tilespmem:s11], [sflag:$0x3], $0x8, s25, s10, $0xb8;
	[tilespmem:$0xA028] =	vst v63  }
0xbe: {  	_ =	swait.ge [sflag:s14], $0x1F40  }
0xbf: {  	[sflag:s14] =	ssyncset.done $0x0  }
0xc0: {  	[sflag:s14] =	ssyncadd.s32 $0xFFFFE0C0  }
0xc1: {  	[tilespmem:s11], [sflag:$0x1] =	stream.indirect.gather [hbm4b:s9+s10], $0x8, s26, s10, $0xb8;
	[tilespmem:$0xA028] =	vst v63  }
0xc2: {  	_ =	swait.ge [sflag:s15], $0x1F40  }
0xc3: {  	[sflag:s15] =	ssyncset.done $0x0  }
0xc4: {  	[sflag:s15] =	ssyncadd.s32 $0xFFFFE0C0  }
0xc5: {  	[spmem:s2] =	stream.indirect.scatter.add.f32 [tilespmem:s12], [sflag:$0x4], $0x8, s28, s10, $0xb8;
	[tilespmem:$0xA028] =	vst v63  }
0xc6: {  	_ =	swait.ge [sflag:s16], $0x1F40  }
0xc7: {  	[sflag:s16] =	ssyncset.done $0x0  }
0xc8: {  	[sflag:s16] =	ssyncadd.s32 $0xFFFFE0C0  }
0xc9: {  	[tilespmem:s12], [sflag:$0x2] =	stream.indirect.gather [hbm4b:s9+s10], $0x8, s29, s10, $0xb8;
	[tilespmem:$0xA028] =	vst v63  }
0xca: {  	_ =	swait.ge [sflag:s13], $0x1F40  }
0xcb: {  	[sflag:s13] =	ssyncset.done $0x0  }
0xcc: {  	[sflag:s13] =	ssyncadd.s32 $0xFFFFE0C0  }
0xcd: {  	[spmem:s2] =	stream.indirect.scatter.add.f32 [tilespmem:s11], [sflag:$0x3], $0x8, s30, s10, $0xb8;
	[tilespmem:$0xA028] =	vst v63  }
0xce: {  	_ =	swait.ge [sflag:s15], $0x1F40  }
0xcf: {  	[sflag:s15] =	ssyncset.done $0x0  }
0xd0: {  	[sflag:s15] =	ssyncadd.s32 $0xFFFFE0C0  }
0xd1: {  	[spmem:s2] =	stream.indirect.scatter.add.f32 [tilespmem:s12], [sflag:$0x4], $0x8, s31, s10, $0xb8;
	[tilespmem:$0xA028] =	vst v63  }
0xd2: {  	_ =	swait.ge [sflag:s14], $0x1F40  }
0xd3: {  	[sflag:s14] =	ssyncset.done $0x0  }
0xd4: {  	[sflag:s14] =	ssyncadd.s32 $0xFFFFE0C0  }
0xd5: {  	s1 =	sadd.s32 $0xFFFFFFFF, s1;
	_ =	swait.ge [sflag:s16], $0x1F40  }
0xd6: {  	p1 =	sne.s32 s1, $0x0;
	[sflag:s16] =	ssyncset.done $0x0  }
.Ltmp1:
0xd7: {  	[sflag:s16] =	ssyncadd.s32 $0xFFFFE0C0;
	(pc) =	sbr.rel @p1 .LBB2_1-.Ltmp1, $4  }
0xd8: {  	[bflag:$0x0] =	sbarrier.arrive $0xFFFF  }
0xd9: {  	s0 =	rddreg [dreg:$0x7]  }
0xda: {  	[hbm:s0], [sflag:s5] =	dma.local @!p0 [spmem:s6], $0x3E8  }
0xdb: {  	_ =	swait.ge @!p0 [sflag:s4], $0x3E8  }
.LBB2_2:
0xdc: {  	[sflag:s4] =	ssyncset.done @!p0 $0x0  }
0xdd: {  	[sflag:s4] =	ssyncadd.s32 @!p0 $0xFFFFFC18  }
0xde: {  	_ =	sfence.sel $0x180000  }
0xdf: {  	[bflag:$0x0] =	sbarrier.arrive $0xFFFF  }
0xe0: {  	_ =	strace $0x9000004D  }
0xe1: {  	s0 =	stileid.u32;
	[bflag:$0x2] =	sbarrier.arrive $0xFFFF  }
0xe2: {  	p0 =	sne.s32 s0, $0x0;
	s0 =	rddreg [dreg:$0x3]  }
0xe3: {  	s0 =	sadd.s32 @!p0 $0x100000, s0  }
0xe4: {  	[sflag:s0] =	ssyncadd.tile.s32 @!p0 $0x1;
	_ =	shalt  }
.Lfunc_end2:
_tile_overlayer_lowered:
.L_overlay_start_2:
0xe5: {  	(tag) =	ssettag $0x2  }
0xe6: {  	s0 =	rddreg [dreg:$0x0];
	s2 =	stileid.u32  }
0xe7: {  	s1 =	rddreg [dreg:$0x1];
	p0 =	sne.s32 s2, $0x0  }
0xe8: {  	s3 =	rddreg [dreg:$0x2];
	[bflag:$0x3] =	sbarrier.arrive $0xFFFF;
	s2 =	simm.s32 @!p0 $0x1C05  }
0xe9: {  	[timem:s3], [sflag:s2] =	dma.local @!p0 [hbm:s0], s1  }
0xea: {  	s0 =	simm.s32 @!p0 $0x5  }
0xeb: {  	_ =	swait.ge @!p0 [sflag:s0], s1  }
0xec: {  	s1 =	ssub.s32 @!p0 $0x0, s1;
	[sflag:s0] =	ssyncset.done @!p0 $0x0  }
0xed: {  	[sflag:s0] =	ssyncadd.s32 @!p0 s1  }
0xee: {  	[bflag:$0x3] =	sbarrier.arrive $0xFFFF  }
0xef: {  	_ =	shalt  }

// kernel: kernel.8.cloned.1.call-start
scs
__scs_entry_jumppad:
0x0: {  	(pc) =	sbr.rel $0x88, $3  }
0x1: {  	(tag) =	ssettag $0x0;
	lr =	simm.s32 $0x1  }
0x2: {  	[smem:$0x3F96] =	sst lr;
	_ =	strace $0xD0000000  }
0x3: {  	_ = 	snop  }
0x4: {  	_ = 	snop  }
0x5: {  	_ = 	snop  }
0x6: {  	_ = 	snop  }
0x7: {  	_ = 	snop  }
__scs_overlays_trampoline_lowered:
0x8: {  	[smem:$0x3FA5] =	sst s0  }
0x9: {  	[smem:$0x3FA6] =	sst s1  }
0xa: {  	[smem:$0x3FA7] =	sst s2  }
0xb: {  	[smem:$0x3FA8] =	sst s3  }
0xc: {  	[smem:$0x3FA9] =	sst s4  }
0xd: {  	[smem:$0x3FAA] =	sst s5  }
0xe: {  	[smem:$0x3FAB] =	sst s6  }
0xf: {  	[smem:$0x3FAC] =	sst s7  }
0x10: {  	[smem:$0x3FAD] =	sst s8  }
0x11: {  	[smem:$0x3FAE] =	sst s9;
	s0 =	simm.s32 @!p0 $0x0  }
0x12: {  	s1 =	sld [smem:$0x3F94];
	s0 =	simm.s32 @p0 $0x1  }
0x13: {  	[smem:$0x3FAF] =	sst s0;
	s0 =	simm.s32 @!p1 $0x0  }
0x14: {  	s2 =	sld [smem:$0x3F93];
	s0 =	simm.s32 @p1 $0x1  }
0x15: {  	[smem:$0x3FB0] =	sst s0;
	s0 =	simm.s32 @!p2 $0x0  }
0x16: {  	s3 =	sld [smem:$0x3FDB];
	s0 =	simm.s32 @p2 $0x1  }
0x17: {  	s4 =	simm.s32 $0x1BF5;
	[smem:$0x3FB2] =	sst s0  }
0x18: {  	s0 =	sld [smem:$0x3F95];
	_ =	swait.ge [sflag:s4], $0x0  }
0x19: {  	s7 =	sld [smem:$0x3F96]  }
0x1a: {  	s8 =	sadd.s32 $0xFFFFE003, lr  }
0x1b: {  	s9 =	sadd.s32 $0xFFFFFEF7, lr;
	s5 =	simm.s32 $0xFFFFFFFF;
	p2 =	slt.u32 s8, $0xFFFFF086  }
0x1c: {  	p1 =	slt.u32 s9, $0xF7A;
	s5 =	simm.s32 @!p2 $0x0  }
0x1d: {  	s5 =	simm.s32 @p1 $0x1;
	p0 =	seq.s32 s7, s2  }
0x1e: {  	s7 =	smul.u32 @!p0 $0xF7A, s2;
	p2 =	seq.s32 @!p0 s5, $0x0  }
0x1f: {  	s9 =	smul.u32 $0xF7A, s1;
	s8 =	simm.s32 @!p0 $0x1BF5;
	p2 =	por !p2, p0  }
0x20: {  	[sflag:s8] =	ssyncset.s32 @!p0 $0xFFFFF086;
	s6 =	sadd.s32 @!p0 s3, s7;
	s7 =	simm.s32 @!p0 $0x108  }
0x21: {  	s3 =	sadd.s32 s3, s9;
	s6 =	sadd.s32 @!p0 $0x88, s6;
	s7 =	simm.s32 @p2 $0x1082  }
0x22: {  	[simem:s7], [sflag:s8] =	dma.local @!p0 [hbm:s6], $0xF7A  }
0x23: {  	s9 =	sor.u32 $0xD0000000, s2;
	s6 =	simm.s32 $0x108;
	_ =	swait.ge @!p0 [sflag:s8], $0x0  }
0x24: {  	s3 =	sadd.s32 $0x88, s3;
	s6 =	simm.s32 @!p1 $0x1082;
	[sflag:s4] =	ssyncset.s32 $0xFFFFF086  }
0x25: {  	[simem:s6], [sflag:s4] =	dma.local [hbm:s3], $0xF7A  }
0x26: {  	[smem:$0x3F96] =	sst s1;
	(tag) =	ssettag s2;
	_ =	strace s9  }
0x27: {  	s1 =	sld [smem:$0x3FA6]  }
0x28: {  	s2 =	sld [smem:$0x3FA7]  }
0x29: {  	s4 =	sld [smem:$0x3FA9]  }
0x2a: {  	p0 =	seq.s32 s5, $0x0;
	s5 =	sld [smem:$0x3FAA]  }
0x2b: {  	s6 =	sld [smem:$0x3FAB]  }
0x2c: {  	s7 =	sld [smem:$0x3FAC]  }
0x2d: {  	s3 =	simm.s32 $0x108;
	s8 =	sld [smem:$0x3FAD]  }
0x2e: {  	s3 =	simm.s32 @!p0 $0x1082;
	s9 =	sld [smem:$0x3FAE]  }
0x2f: {  	lr =	sadd.s32 s0, s3;
	s0 =	sld [smem:$0x3FA5]  }
0x30: {  	s3 =	sld [smem:$0x3FA8]  }
0x31: {  	[smem:$0x3FB1] =	sst s10  }
0x32: {  	s10 =	sld [smem:$0x3FAF];
	_ =	sdelay $0x3  }
0x33: {  	p0 =	seq.s32 s10, $0x1;
	s10 =	sld [smem:$0x3FB1];
	_ =	sdelay $0x3  }
0x34: {  	[smem:$0x3FB1] =	sst s10  }
0x35: {  	s10 =	sld [smem:$0x3FB0];
	_ =	sdelay $0x3  }
0x36: {  	p1 =	seq.s32 s10, $0x1;
	s10 =	sld [smem:$0x3FB1];
	_ =	sdelay $0x3  }
0x37: {  	[smem:$0x3FB1] =	sst s10  }
0x38: {  	s10 =	sld [smem:$0x3FB2]  }
0x39: {  	_ = 	snop;
	(pc) =	sbr.ind lr, $3  }
0x3a: {  	_ = 	snop  }
0x3b: {  	_ = 	snop  }
0x3c: {  	p2 =	seq.s32 s10, $0x1;
	s10 =	sld [smem:$0x3FB1]  }
0x3d: {  	_ =	shalt  }
0x3e: {  	_ =	shalt  }
0x3f: {  	_ =	shalt  }
0x40: {  	_ =	shalt  }
0x41: {  	_ =	shalt  }
0x42: {  	_ =	shalt  }
0x43: {  	_ =	shalt  }
0x44: {  	_ =	shalt  }
0x45: {  	_ =	shalt  }
0x46: {  	_ =	shalt  }
0x47: {  	_ =	shalt  }
0x48: {  	_ =	shalt  }
0x49: {  	_ =	shalt  }
0x4a: {  	_ =	shalt  }
0x4b: {  	_ =	shalt  }
0x4c: {  	_ =	shalt  }
0x4d: {  	_ =	shalt  }
0x4e: {  	_ =	shalt  }
0x4f: {  	_ =	shalt  }
0x50: {  	_ =	shalt  }
0x51: {  	_ =	shalt  }
0x52: {  	_ =	shalt  }
0x53: {  	_ =	shalt  }
0x54: {  	_ =	shalt  }
0x55: {  	_ =	shalt  }
0x56: {  	_ =	shalt  }
0x57: {  	_ =	shalt  }
0x58: {  	_ =	shalt  }
0x59: {  	_ =	shalt  }
0x5a: {  	_ =	shalt  }
0x5b: {  	_ =	shalt  }
0x5c: {  	_ =	shalt  }
0x5d: {  	_ =	shalt  }
0x5e: {  	_ =	shalt  }
0x5f: {  	_ =	shalt  }
0x60: {  	_ =	shalt  }
0x61: {  	_ =	shalt  }
0x62: {  	_ =	shalt  }
0x63: {  	_ =	shalt  }
0x64: {  	_ =	shalt  }
0x65: {  	_ =	shalt  }
0x66: {  	_ =	shalt  }
0x67: {  	_ =	shalt  }
0x68: {  	_ =	shalt  }
0x69: {  	_ =	shalt  }
0x6a: {  	_ =	shalt  }
0x6b: {  	_ =	shalt  }
0x6c: {  	_ =	shalt  }
0x6d: {  	_ =	shalt  }
0x6e: {  	_ =	shalt  }
0x6f: {  	_ =	shalt  }
0x70: {  	_ =	shalt  }
0x71: {  	_ =	shalt  }
0x72: {  	_ =	shalt  }
0x73: {  	_ =	shalt  }
0x74: {  	_ =	shalt  }
0x75: {  	_ =	shalt  }
0x76: {  	_ =	shalt  }
0x77: {  	_ =	shalt  }
0x78: {  	_ =	shalt  }
0x79: {  	_ =	shalt  }
0x7a: {  	_ =	shalt  }
0x7b: {  	_ =	shalt  }
0x7c: {  	_ =	shalt  }
0x7d: {  	_ =	shalt  }
0x7e: {  	_ =	shalt  }
0x7f: {  	_ =	shalt  }
0x80: {  	_ =	shalt  }
0x81: {  	_ =	shalt  }
0x82: {  	_ =	shalt  }
0x83: {  	_ =	shalt  }
0x84: {  	_ =	shalt  }
0x85: {  	_ =	shalt  }
0x86: {  	_ =	shalt  }
0x87: {  	_ =	shalt  }
.Lfunc_end0:
.L_simem_size_0:
called_computation_lowered:
.L_overlay_start_0:
0x88: {  	s2 =	sld [smem:$0x3FD9]  }
0x89: {  	s3 =	sld [smem:$0x3FFE];
	_ =	sdelay $0x1  }
0x8a: {  	s1 =	srdreg.scid  }
0x8b: {  	s0 =	sand.u32 $0x1, s1  }
0x8c: {  	s17 =	sshll.u32 s0, $0xA;
	s2 =	sadd.s32 s3, s2  }
0x8d: {  	s2 =	sadd.s32 s2, s17  }
0x8e: {  	[smem:$0x3FBD] =	sst s2  }
0x8f: {  	_ = 	snop  }
0x90: {  	s2 =	sld [smem:$0x3FD0];
	(tm) =	ssettm $0x1  }
0x91: {  	s18 =	sld [smem:$0x3FFB];
	_ =	sdelay $0x3  }
0x92: {  	_ =	strace s18  }
0x93: {  	s3 =	sld [smem:$0x3FFC];
	_ =	sdelay $0x3  }
0x94: {  	_ =	strace s3  }
0x95: {  	s3 =	sld [smem:$0x3FFD];
	_ =	sdelay $0x3  }
0x96: {  	_ =	strace s3  }
0x97: {  	_ =	strace $0x8FFFFFFF  }
0x98: {  	s19 =	sld [smem:$0x3FDB];
	_ =	sdelay $0x1  }
0x99: {  	s4 =	simm.s32 $_scs_section_size  }
0x9a: {  	s5 =	simm.s32 $_size__tile_overlayer_lowered;
	s6 =	simm.s32 $_tile_overlayer_lowered  }
0x9b: {  	s22 =	simm.s32 $0x1BFF;
	s21 =	sshll.u32 s6, $0x1;
	s3 =	sadd.s32 s4, s19  }
0x9c: {  	s7 =	simm.s32 $0x0;
	s20 =	sshll.u32 s5, $0x1;
	s5 =	sadd.s32 s21, s3  }
0x9d: {  	[timem:s7], [sflag:s22] =	dma.local [hbm:s5], s20  }
0x9e: {  	_ =	swait.ge [sflag:s22], s20  }
0x9f: {  	s4 =	ssub.s32 $0x0, s20;
	[sflag:s22] =	ssyncset.done $0x0  }
0xa0: {  	[sflag:s22] =	ssyncadd.s32 s4;
	_ =	sdelay $0x1  }
0xa1: {  	s23 =	simm.s32 $0x1B8B  }
0xa2: {  	_ =	swait.ge [sflag:s23], $0x1  }
0xa3: {  	[sflag:s23] =	ssyncset.done $0x0  }
0xa4: {  	s25 =	simm.s32 $0x1B8E;
	s24 =	sld [smem:$0x3FFE];
	[sflag:s23] =	ssyncadd.s32 $0xFFFFFFFF  }
0xa5: {  	s26 =	simm.s32 $execute0_lowered;
	[smem:$0x3FD2] =	sst s25  }
0xa6: {  	s5 =	sshll.u32 s26, $0x1;
	_ =	strace $0x80000046;
	[dreg:$0x1] =	wrdreg $0xFFFFFFFF  }
0xa7: {  	s28 =	simm.s32 $_size_execute0_lowered;
	s3 =	sadd.s32 s3, s5;
	[dreg:$0x0] =	wrdreg $0x0  }
0xa8: {  	s5 =	sshll.u32 s28, $0x1;
	[dreg:$0x2] =	wrdreg s3  }
0xa9: {  	[dreg:$0x3] =	wrdreg s5  }
0xaa: {  	[dreg:$0x4] =	wrdreg $0xC0  }
0xab: {  	_ =	task [dreg:s7], $0x5FFFF  }
0xac: {  	[dreg:$0x1] =	wrdreg $0xFFFFFFFF  }
0xad: {  	[dreg:$0x0] =	wrdreg $0x60  }
0xae: {  	[dreg:$0x2] =	wrdreg s24  }
0xaf: {  	[dreg:$0x3] =	wrdreg s2  }
0xb0: {  	[dreg:$0x4] =	wrdreg $0x6D600  }
0xb1: {  	[dreg:$0x5] =	wrdreg $0x80E80  }
0xb2: {  	[dreg:$0x6] =	wrdreg $0x9  }
0xb3: {  	_ =	task.clear_ibuf [dreg:s7], $0x7FFFF;
	_ =	strace $0x90000046  }
0xb4: {  	s29 =	simm.s32 $0x9;
	_ =	strace $0x80000048  }
0xb5: {  	_ =	swait.ge [sflag:s29], $0x1  }
0xb6: {  	[sflag:s29] =	ssyncadd.s32 $0xFFFFFFFF  }
0xb7: {  	_ =	strace $0x90000048  }
0xb8: {  	_ =	sfence  }
0xb9: {  	s30 =	sld [smem:$0x0];
	_ =	sdelay $0x2  }
0xba: {  	s31 =	sshll.u32 s1, $0xD;
	s1 =	sshrl.u32 s1, $0x2  }
0xbb: {  	s3 =	sand.u32 $0x4000, s31;
	s1 =	sadd.s32 s1, s30  }
0xbc: {  	s0 =	sor.u32 s3, s0;
	s1 =	sshll.u32 s1, $0x11  }
0xbd: {  	s0 =	sor.u32 s1, s0  }
0xbe: {  	s0 =	sadd.s32 $0x8F2B, s0  }
0xbf: {  	[sflag:s0] =	ssyncadd.remote.s32 $0x1  }
0xc0: {  	_ =	sfence.sel $0xFFFF  }
0xc1: {  	[dreg:$0x0] =	wrdreg $0xFFFFFFFF;
	(pc) =	sbr.abs _section_cstart, $3  }
0xc2: {  	[dreg:$0x1] =	wrdreg $0xFFFFFFFF  }
0xc3: {  	_ =	task.clear_ibuf [dreg:s7], $0x2FFFF;
	_ =	strace $0x9FFFFFFF  }
0xc4: {  	(tm) =	ssettm $0x7FFFFFFF  }
0xc5: {  	_ =	shalt  }
tec
execute0_lowered:
.L_overlay_start_1:
0x0: {  	(tag) =	ssettag $0x1  }
0x1: {  	s0 =	rddreg [dreg:$0x0]  }
0x2: {  	s1 =	srdreg.scid;
	s6 =	rddreg [dreg:$0x1]  }
0x3: {  	s11 =	stileid.u32;
	s2 =	rddreg [dreg:$0x2];
	s17 =	simm.s32 $0x2  }
0x4: {  	s18 =	simm.s32 $0x2710;
	s19 =	simm.s32 $0x4E20;
	s20 =	simm.s32 $0x3E8  }
0x5: {  	s28 =	simm.s32 $0x2AF8;
	s29 =	simm.s32 $0x7D0;
	s30 =	simm.s32 $0x3A98  }
0x6: {  	s31 =	simm.s32 $0x1770;
	s21 =	simm.s32 $0x4650;
	s22 =	simm.s32 $0x2328  }
0x7: {  	s23 =	simm.s32 $0x4A38;
	s1 =	sand.u32 $0x1, s1;
	s7 =	smul.u32 $0x7D0, s11  }
0x8: {  	s3 =	sshll.u32 s11, $0x1;
	s24 =	smul.u32 $0x1F40, s11;
	p0 =	sgt.u32 s11, $0x9  }
0x9: {  	s4 =	sor.u32 s1, s3;
	s3 =	rddreg [dreg:$0x3];
	s8 =	smul.u32 $0x3E8, s1  }
0xa: {  	s1 =	ssub.s32 $0x2, s1;
	s5 =	smul.u32 $0x4E2, s4;
	s4 =	simm.s32 $0x0  }
0xb: {  	s25 =	sshrl.u32 s1, $0x1;
	s9 =	sshrl.u32 s24, $0x3;
	s12 =	sadd.s32 s24, s2  }
0xc: {  	[smem:$0x7FF] =	sst s4;
	s7 =	sadd.s32 s8, s7;
	s1 =	ssub.s32 s1, s25  }
0xd: {  	s8 =	sadd.s32 s24, s3;
	s15 =	sshrl.u32 @!p0 s12, $0x3;
	s24 =	simm.s32 $0x1  }
0xe: {  	s25 =	simm.s32 $0x9470;
	_ =	strace $0x80000047;
	s10 =	sadd.s32 s5, s0  }
0xf: {  	s5 =	sadd.s32 $0x16200, s0;
	s7 =	sshrl.u32 s7, $0x3;
	s13 =	smax.u32 s1, $0x1  }
0x10: {  	[dreg:$0x5] =	wrdreg s12;
	s16 =	sshrl.u32 @!p0 s8, $0x3;
	s1 =	simm.s32 $0x3E80  }
.Ltmp0:
0x11: {  	s12 =	simm.s32 $0x1F40;
	s0 =	sadd.s32 s7, s0;
	(pc) =	sbr.rel .LBB2_1-.Ltmp0, $4  }
0x12: {  	s7 =	sadd.s32 s6, s9;
	s9 =	sadd.s32 $0xC400, s10;
	s10 =	sadd.s32 $0x2600, s10  }
0x13: {  	s6 =	sshll.u32 @!p0 s11, $0x6;
	s11 =	simm.s32 $0x4268;
	s26 =	sadd.s32 $0x17000, s0  }
0x14: {  	v0 =	vlaneseq.u32;
	s0 =	sadd.s32 $0x16600, s0;
	s14 =	sor.u32 @!p0 $0x1C02, s6;
	[dreg:$0x6] =	wrdreg s26  }
0x15: {  	v0 =	vmul.u32 $0x8, v0;
	[dreg:$0x7] =	wrdreg s0;
	s0 =	simm.s32 $0x1B58;
	s26 =	simm.s32 $0x0  }
.LBB2_6:
0x16: {  	v2 =	vshll.u32 v2, $0x3  }
0x17: {  	v2 =	vor.u32 v0, v2;
	_ =	sdelay $0x2  }
0x18: {  	s6 =	sadd.s32 $0x10, s6  }
0x19: {  	[tilespmem:s6+$0x0] =	vst v1  }
0x1a: {  	v1 =	vld.idx.msk [tilespmem:v2+s25+$0x0], $0xffff;
	_ =	sdelay $0x3  }
0x1b: {  	s6 =	sadd.s32 $0x10, s6  }
0x1c: {  	s28 =	simm.s32 $0xB3F0;
	[tilespmem:s6+$0x0] =	vst v1;
	s6 =	rddreg [dreg:$0x7]  }
0x1d: {  	[hbm4b:s6+s4] =	stream.linear.scatter [tilespmem:s28], [sflag:$0x2], $0x3E8, $0x38;
	[tilespmem:$0xB7E0] =	vst v63  }
0x1e: {  	_ =	swait.ge [sflag:s17], $0x3E8  }
0x1f: {  	[sflag:s17] =	ssyncset.done $0x0  }
0x20: {  	s29 =	simm.s32 $0x7D0;
	s28 =	simm.s32 $0x2AF8;
	[sflag:s17] =	ssyncadd.s32 $0xFFFFFC18  }
.LBB2_7:
0x21: {  	s26 =	sadd.s32 $0x1, s26  }
0x22: {  	p1 =	sne.s32 s26, s13  }
.Ltmp1:
0x23: {  	_ = 	snop;
	(pc) =	sbr.rel @!p1 .LBB2_8-.Ltmp1, $1  }
0x24: {  	_ =	sdelay $0x3  }
.LBB2_1:
0x25: {  	[spmem:s15], [sflag:s14] =	dma.local @!p0 [hbm:s7], $0x3E8  }
0x26: {  	s6 =	simm.s32 @!p0 $0x2  }
0x27: {  	_ =	swait.ge @!p0 [sflag:s6], $0x3E8  }
0x28: {  	[sflag:s6] =	ssyncset.done @!p0 $0x0  }
0x29: {  	[sflag:s6] =	ssyncadd.s32 @!p0 $0xFFFFFC18  }
0x2a: {  	[spmem:s16], [sflag:s14] =	dma.local @!p0 [hbm:s7], $0x3E8  }
0x2b: {  	_ =	swait.ge @!p0 [sflag:s6], $0x3E8  }
0x2c: {  	[sflag:s6] =	ssyncset.done @!p0 $0x0  }
0x2d: {  	[sflag:s6] =	ssyncadd.s32 @!p0 $0xFFFFFC18  }
0x2e: {  	[tilespmem:s4], [sflag:$0x2] =	stream.linear.gather [hbm4b:s9+s4], $0x2710, $0x38;
	[tilespmem:$0xB7E0] =	vst v63  }
0x2f: {  	_ =	swait.ge [sflag:s17], $0x2710  }
0x30: {  	[sflag:s17] =	ssyncset.done $0x0  }
0x31: {  	[sflag:s17] =	ssyncadd.s32 $0xFFFFD8F0  }
0x32: {  	[tilespmem:s18], [sflag:$0x2] =	stream.linear.gather [hbm4b:s10+s4], $0x2710, $0x38;
	[tilespmem:$0xB7E0] =	vst v63  }
0x33: {  	_ =	swait.ge [sflag:s17], $0x2710  }
0x34: {  	[sflag:s17] =	ssyncset.done $0x0  }
0x35: {  	[sflag:s17] =	ssyncadd.s32 $0xFFFFD8F0  }
0x36: {  	[tilespmem:s19], [sflag:$0x2] =	stream.linear.gather [hbm4b:s5+s4], $0x1F40, $0x38;
	[tilespmem:$0xB7E0] =	vst v63  }
0x37: {  	_ =	swait.ge [sflag:s17], $0x1F40  }
0x38: {  	[sflag:s17] =	ssyncset.done $0x0  }
0x39: {  	[sflag:s17] =	ssyncadd.s32 $0xFFFFE0C0  }
0x3a: {  	[bflag:$0x0] =	sbarrier.arrive $0xFFFF  }
0x3b: {  	[spmem:s2] =	stream.indirect.scatter.add.f32 [tilespmem:s19], [sflag:$0x1], $0x8, s4, s20, $0xb8;
	[tilespmem:$0xB7E0] =	vst v63  }
0x3c: {  	_ = 	snop  }
0x3d: {  	[spmem:s3] =	stream.indirect.scatter.add.f32 [tilespmem:s19], [sflag:$0x1], $0x8, s18, s20, $0xb8;
	[tilespmem:$0xB7E0] =	vst v63  }
0x3e: {  	_ = 	snop  }
0x3f: {  	[spmem:s2] =	stream.indirect.scatter.add.f32 [tilespmem:s19], [sflag:$0x1], $0x8, s20, s20, $0xb8;
	[tilespmem:$0xB7E0] =	vst v63  }
0x40: {  	_ = 	snop  }
0x41: {  	[spmem:s3] =	stream.indirect.scatter.add.f32 [tilespmem:s19], [sflag:$0x1], $0x8, s28, s20, $0xb8;
	[tilespmem:$0xB7E0] =	vst v63  }
0x42: {  	_ = 	snop  }
0x43: {  	[spmem:s2] =	stream.indirect.scatter.add.f32 [tilespmem:s19], [sflag:$0x1], $0x8, s29, s20, $0xb8;
	[tilespmem:$0xB7E0] =	vst v63  }
0x44: {  	s6 =	simm.s32 $0x2EE0  }
0x45: {  	[spmem:s3] =	stream.indirect.scatter.add.f32 [tilespmem:s19], [sflag:$0x1], $0x8, s6, s20, $0xb8;
	[tilespmem:$0xB7E0] =	vst v63  }
0x46: {  	s6 =	simm.s32 $0xBB8  }
0x47: {  	[spmem:s2] =	stream.indirect.scatter.add.f32 [tilespmem:s19], [sflag:$0x1], $0x8, s6, s20, $0xb8;
	[tilespmem:$0xB7E0] =	vst v63  }
0x48: {  	s6 =	simm.s32 $0x32C8  }
0x49: {  	[spmem:s3] =	stream.indirect.scatter.add.f32 [tilespmem:s19], [sflag:$0x1], $0x8, s6, s20, $0xb8;
	[tilespmem:$0xB7E0] =	vst v63  }
0x4a: {  	s6 =	simm.s32 $0xFA0  }
0x4b: {  	[spmem:s2] =	stream.indirect.scatter.add.f32 [tilespmem:s19], [sflag:$0x1], $0x8, s6, s20, $0xb8;
	[tilespmem:$0xB7E0] =	vst v63  }
0x4c: {  	s6 =	simm.s32 $0x36B0  }
0x4d: {  	[spmem:s3] =	stream.indirect.scatter.add.f32 [tilespmem:s19], [sflag:$0x1], $0x8, s6, s20, $0xb8;
	[tilespmem:$0xB7E0] =	vst v63  }
0x4e: {  	s6 =	simm.s32 $0x1388  }
0x4f: {  	[spmem:s2] =	stream.indirect.scatter.add.f32 [tilespmem:s19], [sflag:$0x1], $0x8, s6, s20, $0xb8;
	[tilespmem:$0xB7E0] =	vst v63  }
0x50: {  	_ = 	snop  }
0x51: {  	[spmem:s3] =	stream.indirect.scatter.add.f32 [tilespmem:s19], [sflag:$0x1], $0x8, s30, s20, $0xb8;
	[tilespmem:$0xB7E0] =	vst v63  }
0x52: {  	_ = 	snop  }
0x53: {  	[spmem:s2] =	stream.indirect.scatter.add.f32 [tilespmem:s19], [sflag:$0x1], $0x8, s31, s20, $0xb8;
	[tilespmem:$0xB7E0] =	vst v63  }
0x54: {  	_ = 	snop  }
0x55: {  	[spmem:s3] =	stream.indirect.scatter.add.f32 [tilespmem:s19], [sflag:$0x1], $0x8, s1, s20, $0xb8;
	[tilespmem:$0xB7E0] =	vst v63  }
0x56: {  	_ = 	snop  }
0x57: {  	[spmem:s2] =	stream.indirect.scatter.add.f32 [tilespmem:s19], [sflag:$0x1], $0x8, s0, s20, $0xb8;
	[tilespmem:$0xB7E0] =	vst v63  }
0x58: {  	_ = 	snop  }
0x59: {  	[spmem:s3] =	stream.indirect.scatter.add.f32 [tilespmem:s19], [sflag:$0x1], $0x8, s11, s20, $0xb8;
	[tilespmem:$0xB7E0] =	vst v63  }
0x5a: {  	_ = 	snop  }
0x5b: {  	[spmem:s2] =	stream.indirect.scatter.add.f32 [tilespmem:s19], [sflag:$0x1], $0x8, s12, s20, $0xb8;
	[tilespmem:$0xB7E0] =	vst v63  }
0x5c: {  	_ = 	snop  }
0x5d: {  	[spmem:s3] =	stream.indirect.scatter.add.f32 [tilespmem:s19], [sflag:$0x1], $0x8, s21, s20, $0xb8;
	[tilespmem:$0xB7E0] =	vst v63  }
0x5e: {  	_ = 	snop  }
0x5f: {  	[spmem:s2] =	stream.indirect.scatter.add.f32 [tilespmem:s19], [sflag:$0x1], $0x8, s22, s20, $0xb8;
	[tilespmem:$0xB7E0] =	vst v63  }
0x60: {  	_ = 	snop  }
0x61: {  	[spmem:s3] =	stream.indirect.scatter.add.f32 [tilespmem:s19], [sflag:$0x1], $0x8, s23, s20, $0xb8;
	[tilespmem:$0xB7E0] =	vst v63  }
0x62: {  	_ =	swait.ge [sflag:s24], $0x1F40  }
0x63: {  	[sflag:s24] =	ssyncset.done $0x0  }
0x64: {  	[sflag:s24] =	ssyncadd.s32 $0xFFFFE0C0  }
0x65: {  	_ =	swait.ge [sflag:s24], $0x1F40  }
0x66: {  	[sflag:s24] =	ssyncset.done $0x0  }
0x67: {  	[sflag:s24] =	ssyncadd.s32 $0xFFFFE0C0  }
0x68: {  	_ =	swait.ge [sflag:s24], $0x1F40  }
0x69: {  	[sflag:s24] =	ssyncset.done $0x0  }
0x6a: {  	[sflag:s24] =	ssyncadd.s32 $0xFFFFE0C0  }
0x6b: {  	_ =	swait.ge [sflag:s24], $0x1F40  }
0x6c: {  	[sflag:s24] =	ssyncset.done $0x0  }
0x6d: {  	[sflag:s24] =	ssyncadd.s32 $0xFFFFE0C0  }
0x6e: {  	_ =	swait.ge [sflag:s24], $0x1F40  }
0x6f: {  	[sflag:s24] =	ssyncset.done $0x0  }
0x70: {  	[sflag:s24] =	ssyncadd.s32 $0xFFFFE0C0  }
0x71: {  	_ =	swait.ge [sflag:s24], $0x1F40  }
0x72: {  	[sflag:s24] =	ssyncset.done $0x0  }
0x73: {  	[sflag:s24] =	ssyncadd.s32 $0xFFFFE0C0  }
0x74: {  	_ =	swait.ge [sflag:s24], $0x1F40  }
0x75: {  	[sflag:s24] =	ssyncset.done $0x0  }
0x76: {  	[sflag:s24] =	ssyncadd.s32 $0xFFFFE0C0  }
0x77: {  	_ =	swait.ge [sflag:s24], $0x1F40  }
0x78: {  	[sflag:s24] =	ssyncset.done $0x0  }
0x79: {  	[sflag:s24] =	ssyncadd.s32 $0xFFFFE0C0  }
0x7a: {  	_ =	swait.ge [sflag:s24], $0x1F40  }
0x7b: {  	[sflag:s24] =	ssyncset.done $0x0  }
0x7c: {  	[sflag:s24] =	ssyncadd.s32 $0xFFFFE0C0  }
0x7d: {  	_ =	swait.ge [sflag:s24], $0x1F40  }
0x7e: {  	[sflag:s24] =	ssyncset.done $0x0  }
0x7f: {  	[sflag:s24] =	ssyncadd.s32 $0xFFFFE0C0  }
0x80: {  	_ =	swait.ge [sflag:s24], $0x1F40  }
0x81: {  	[sflag:s24] =	ssyncset.done $0x0  }
0x82: {  	[sflag:s24] =	ssyncadd.s32 $0xFFFFE0C0  }
0x83: {  	_ =	swait.ge [sflag:s24], $0x1F40  }
0x84: {  	[sflag:s24] =	ssyncset.done $0x0  }
0x85: {  	[sflag:s24] =	ssyncadd.s32 $0xFFFFE0C0  }
0x86: {  	_ =	swait.ge [sflag:s24], $0x1F40  }
0x87: {  	[sflag:s24] =	ssyncset.done $0x0  }
0x88: {  	[sflag:s24] =	ssyncadd.s32 $0xFFFFE0C0  }
0x89: {  	_ =	swait.ge [sflag:s24], $0x1F40  }
0x8a: {  	[sflag:s24] =	ssyncset.done $0x0  }
0x8b: {  	[sflag:s24] =	ssyncadd.s32 $0xFFFFE0C0  }
0x8c: {  	_ =	swait.ge [sflag:s24], $0x1F40  }
0x8d: {  	[sflag:s24] =	ssyncset.done $0x0  }
0x8e: {  	[sflag:s24] =	ssyncadd.s32 $0xFFFFE0C0  }
0x8f: {  	_ =	swait.ge [sflag:s24], $0x1F40  }
0x90: {  	[sflag:s24] =	ssyncset.done $0x0  }
0x91: {  	[sflag:s24] =	ssyncadd.s32 $0xFFFFE0C0  }
0x92: {  	_ =	swait.ge [sflag:s24], $0x1F40  }
0x93: {  	[sflag:s24] =	ssyncset.done $0x0  }
0x94: {  	[sflag:s24] =	ssyncadd.s32 $0xFFFFE0C0  }
0x95: {  	_ =	swait.ge [sflag:s24], $0x1F40  }
0x96: {  	[sflag:s24] =	ssyncset.done $0x0  }
0x97: {  	[sflag:s24] =	ssyncadd.s32 $0xFFFFE0C0  }
0x98: {  	_ =	swait.ge [sflag:s24], $0x1F40  }
0x99: {  	[sflag:s24] =	ssyncset.done $0x0  }
0x9a: {  	[sflag:s24] =	ssyncadd.s32 $0xFFFFE0C0  }
.Ltmp2:
0x9b: {  	_ =	swait.ge [sflag:s24], $0x1F40;
	(pc) =	sbr.rel @p0 .LBB2_7-.Ltmp2, $3  }
0x9c: {  	[sflag:s24] =	ssyncset.done $0x0  }
0x9d: {  	[sflag:s24] =	ssyncadd.s32 $0xFFFFE0C0  }
0x9e: {  	[bflag:$0x0] =	sbarrier.arrive $0xFFFF;
	_ =	sdelay $0x1  }
0x9f: {  	s6 =	simm.s32 $0x0  }
0xa0: {  	v1 =	vmov s6  }
0xa1: {  	v1 =	vshll.u32 v1, $0x3  }
0xa2: {  	s29 =	rddreg [dreg:$0x5];
	v1 =	vor.u32 v0, v1  }
0xa3: {  	[tilespmem:s25], [sflag:$0x2] =	stream.linear.gather [spmem:s29], $0x1F40, $0x38;
	[tilespmem:$0xB7E0] =	vst v63  }
0xa4: {  	_ =	swait.ge [sflag:s17], $0x1F40  }
0xa5: {  	s29 =	simm.s32 $0x10;
	[sflag:s17] =	ssyncset.done $0x0  }
0xa6: {  	v2 =	vmov s29;
	[sflag:s17] =	ssyncadd.s32 $0xFFFFE0C0  }
0xa7: {  	v2 =	vshll.u32 v2, $0x3;
	v1 =	vld.idx.msk [tilespmem:v1+s25+$0x0], $0xffff  }
0xa8: {  	v3 =	vor.u32 v0, v2;
	_ =	sdelay $0x2  }
0xa9: {  	s6 =	simm.s32 $0xB3F0  }
0xaa: {  	s28 =	simm.s32 $0x20;
	[tilespmem:s6+$0x0] =	vst v1  }
0xab: {  	v2 =	vmov s28;
	s28 =	simm.s32 $0x30;
	v1 =	vld.idx.msk [tilespmem:v3+s25+$0x0], $0xffff  }
.LBB2_3:
0xac: {  	p1 =	sne.s32 s28, $0x3E0;
	v2 =	vshll.u32 v2, $0x3  }
0xad: {  	v3 =	vor.u32 v0, v2  }
.Ltmp3:
0xae: {  	(pc) =	sbr.rel @p1 .LBB2_3-.Ltmp3, $4  }
0xaf: {  	_ = 	snop  }
0xb0: {  	s6 =	sadd.s32 $0x10, s6  }
0xb1: {  	[tilespmem:s6+$0x0] =	vst v1  }
0xb2: {  	v2 =	vmov s28;
	s28 =	sadd.s32 $0x10, s28;
	v1 =	vld.idx.msk [tilespmem:v3+s25+$0x0], $0xffff  }
0xb3: {  	v2 =	vshll.u32 v2, $0x3  }
0xb4: {  	v2 =	vor.u32 v0, v2;
	_ =	sdelay $0x2  }
0xb5: {  	s6 =	sadd.s32 $0x10, s6  }
0xb6: {  	[tilespmem:s6+$0x0] =	vst v1  }
0xb7: {  	v1 =	vld.idx.msk [tilespmem:v2+s25+$0x0], $0xffff;
	_ =	sdelay $0x3  }
0xb8: {  	s6 =	sadd.s32 $0x10, s6  }
0xb9: {  	s28 =	simm.s32 $0x0;
	s29 =	rddreg [dreg:$0x6];
	[tilespmem:s6+$0x0] =	vst v1;
	s6 =	simm.s32 $0xB3F0  }
0xba: {  	[hbm4b:s29+s28] =	stream.linear.scatter [tilespmem:s6], [sflag:$0x2], $0x3E8, $0x38;
	[tilespmem:$0xB7E0] =	vst v63  }
0xbb: {  	v1 =	vmov s28;
	_ =	swait.ge [sflag:s17], $0x3E8  }
0xbc: {  	v1 =	vshll.u32 v1, $0x3;
	[sflag:s17] =	ssyncset.done $0x0  }
0xbd: {  	v1 =	vor.u32 v0, v1;
	[sflag:s17] =	ssyncadd.s32 $0xFFFFFC18  }
0xbe: {  	[tilespmem:s25], [sflag:$0x2] =	stream.linear.gather [spmem:s8], $0x1F40, $0x38;
	[tilespmem:$0xB7E0] =	vst v63  }
0xbf: {  	_ =	swait.ge [sflag:s17], $0x1F40  }
0xc0: {  	s28 =	simm.s32 $0x10;
	[sflag:s17] =	ssyncset.done $0x0  }
0xc1: {  	v2 =	vmov s28;
	[sflag:s17] =	ssyncadd.s32 $0xFFFFE0C0  }
0xc2: {  	v2 =	vshll.u32 v2, $0x3;
	v1 =	vld.idx.msk [tilespmem:v1+s25+$0x0], $0xffff  }
0xc3: {  	v3 =	vor.u32 v0, v2;
	_ =	sdelay $0x3  }
0xc4: {  	s28 =	simm.s32 $0x20;
	[tilespmem:s6+$0x0] =	vst v1  }
0xc5: {  	v2 =	vmov s28;
	s28 =	simm.s32 $0x30;
	v1 =	vld.idx.msk [tilespmem:v3+s25+$0x0], $0xffff  }
.LBB2_5:
0xc6: {  	p1 =	sne.s32 s28, $0x3E0;
	v2 =	vshll.u32 v2, $0x3  }
0xc7: {  	v3 =	vor.u32 v0, v2  }
.Ltmp4:
0xc8: {  	(pc) =	sbr.rel @p1 .LBB2_5-.Ltmp4, $4  }
0xc9: {  	_ = 	snop  }
0xca: {  	s6 =	sadd.s32 $0x10, s6  }
0xcb: {  	[tilespmem:s6+$0x0] =	vst v1  }
0xcc: {  	v2 =	vmov s28;
	s28 =	sadd.s32 $0x10, s28;
	v1 =	vld.idx.msk [tilespmem:v3+s25+$0x0], $0xffff  }
.Ltmp5:
0xcd: {  	_ = 	snop;
	(pc) =	sbr.rel .LBB2_6-.Ltmp5, $1  }
0xce: {  	_ =	sdelay $0x3  }
.LBB2_8:
0xcf: {  	_ =	sfence.sel $0x180000  }
0xd0: {  	[bflag:$0x0] =	sbarrier.arrive $0xFFFF  }
0xd1: {  	_ =	strace $0x90000047  }
0xd2: {  	s0 =	stileid.u32;
	[bflag:$0x2] =	sbarrier.arrive $0xFFFF  }
0xd3: {  	p0 =	sne.s32 s0, $0x0;
	s0 =	rddreg [dreg:$0x4]  }
0xd4: {  	s0 =	sadd.s32 @!p0 $0x100000, s0  }
0xd5: {  	[sflag:s0] =	ssyncadd.tile.s32 @!p0 $0x1;
	_ =	shalt  }
.Lfunc_end2:
_tile_overlayer_lowered:
.L_overlay_start_2:
0xd6: {  	(tag) =	ssettag $0x2  }
0xd7: {  	s0 =	rddreg [dreg:$0x0];
	s2 =	stileid.u32  }
0xd8: {  	s1 =	rddreg [dreg:$0x1];
	p0 =	sne.s32 s2, $0x0  }
0xd9: {  	s3 =	rddreg [dreg:$0x2];
	[bflag:$0x3] =	sbarrier.arrive $0xFFFF;
	s2 =	simm.s32 @!p0 $0x1C02  }
0xda: {  	[timem:s3], [sflag:s2] =	dma.local @!p0 [hbm:s0], s1  }
0xdb: {  	s0 =	simm.s32 @!p0 $0x2  }
0xdc: {  	_ =	swait.ge @!p0 [sflag:s0], s1  }
0xdd: {  	s1 =	ssub.s32 @!p0 $0x0, s1;
	[sflag:s0] =	ssyncset.done @!p0 $0x0  }
0xde: {  	[sflag:s0] =	ssyncadd.s32 @!p0 s1  }
0xdf: {  	[bflag:$0x3] =	sbarrier.arrive $0xFFFF  }
0xe0: {  	_ =	shalt  }

</sc_bundles>
